<compile_context>
chip_gen: v7x
topology: tpu7x:2x2x1
jax: 0.10.2.dev20260603
libtpu: 0.0.44.dev20260713+nightly
codegen_flags: <defaults>
</compile_context>

<pallas_src>
import functools
import jax
import jax.numpy as jnp
from jax import lax
from jax.experimental import pallas as pl
from jax.experimental.pallas import tpu as pltpu
from jax.experimental.pallas import tpu_sc as plsc

_CODE = 16
_CH = 2048
_NBUF = 2
_NW = 32
_GR = 128


def _enc_body(x_hbm, wet_ref, vq_hbm, xb, vb, in_sem, out_sem):
    n = x_hbm.shape[0] // _CH
    wet = wet_ref[...]

    def start_in(i, slot):
        pltpu.make_async_copy(
            x_hbm.at[pl.ds(i * _CH, _CH)], xb.at[slot], in_sem.at[slot]
        ).start()

    def wait_in(slot):
        pltpu.make_async_copy(
            x_hbm.at[pl.ds(0, _CH)], xb.at[slot], in_sem.at[slot]
        ).wait()

    def start_out(i, slot):
        pltpu.make_async_copy(
            vb.at[slot], vq_hbm.at[pl.ds(i * (_CH // 128), _CH // 128)],
            out_sem.at[slot]
        ).start()

    def wait_out(slot):
        pltpu.make_async_copy(
            vb.at[slot], vq_hbm.at[pl.ds(0, _CH // 128)], out_sem.at[slot]
        ).wait()

    for s in range(_NBUF):
        start_in(s, s)

    for i in range(n):
        slot = i % _NBUF
        wait_in(slot)
        x = xb[slot]
        h = lax.dot_general(x, wet, (((1,), (0,)), ((), ())),
                            preferred_element_type=jnp.float32)
        mx = jnp.max(h, axis=1, keepdims=True)
        iota = lax.broadcasted_iota(jnp.int32, h.shape, 1)
        first = jnp.min(jnp.where(h >= mx, iota, _CODE), axis=1, keepdims=True)
        if i + _NBUF < n:
            start_in(i + _NBUF, slot)
        if i >= _NBUF:
            wait_out(slot)
        vb[slot] = jnp.reshape(first, (_CH // 128, 128))
        start_out(i, slot)

    for i in range(max(n - _NBUF, 0), n):
        wait_out(i % _NBUF)


def _encode(x, wet):
    B, IN = x.shape
    return pl.pallas_call(
        _enc_body,
        in_specs=[
            pl.BlockSpec(memory_space=pl.ANY),
            pl.BlockSpec(memory_space=pltpu.VMEM),
        ],
        out_specs=pl.BlockSpec(memory_space=pl.ANY),
        out_shape=jax.ShapeDtypeStruct((B // 128, 128), jnp.int32),
        scratch_shapes=[
            pltpu.VMEM((_NBUF, _CH, IN), jnp.float32),
            pltpu.VMEM((_NBUF, _CH // 128, 128), jnp.int32),
            pltpu.SemaphoreType.DMA((_NBUF,)),
            pltpu.SemaphoreType.DMA((_NBUF,)),
        ],
        compiler_params=pltpu.CompilerParams(
            vmem_limit_bytes=100 * 1024 * 1024,
        ),
    )(x, wet)


def _decode(vq2d, wdt):
    B = vq2d.shape[0] * 128
    D = wdt.shape[1]
    rows_per_w = B // _NW
    rounds = rows_per_w // _GR
    mesh = plsc.VectorSubcoreMesh(core_axis_name="c", subcore_axis_name="s")

    @functools.partial(
        pl.kernel,
        mesh=mesh,
        out_type=jax.ShapeDtypeStruct((B, D), jnp.float32),
        scratch_types=[
            pltpu.VMEM((_GR,), jnp.int32),
            pltpu.VMEM((_GR, D), jnp.float32),
            pltpu.SemaphoreType.DMA,
        ],
    )
    def dec(vq_hbm, wdt_hbm, y_hbm, idx_v, rows_v, sem):
        wid = lax.axis_index("s") * 2 + lax.axis_index("c")
        base_row = wid * rounds

        def body(r, _):
            pltpu.sync_copy(vq_hbm.at[base_row + r], idx_v)
            pltpu.async_copy(wdt_hbm.at[idx_v], rows_v, sem).wait()
            pltpu.sync_copy(
                rows_v, y_hbm.at[pl.ds(wid * rows_per_w + r * _GR, _GR)]
            )
            return 0

        lax.fori_loop(0, rounds, body, 0)

    return dec(vq2d, wdt)


def kernel(x, W_enc, W_dec):
    vq2d = _encode(x, W_enc.T)
    return _decode(vq2d, W_dec.T)

# --- scband reference (transcript-rebuilt; emitter-appended) ---
"""Pipeline reference for scband-vqn-73486890434727 (READ-ONLY COPY).

The authoritative reference and input builder live on the scoring server;
editing this copy changes nothing except your own understanding.
"""

import jax, jax.numpy as jnp
import numpy as np

D = 128
IN_DIM = 9 * D + 1  # 1153
CODE = 16
OUT_DIM = 6 * D  # 768
BATCH = 16384

def setup_inputs(seed: int = 0) -> dict:
    key = jax.random.key(seed)
    k1, k2, k3 = jax.random.split(key, 3)
    x = jax.random.normal(k1, (BATCH, IN_DIM), dtype=jnp.float32)
    # torch nn.Linear(in, out, bias=False) weight shape: [out, in]
    W_enc = jax.random.normal(k2, (CODE, IN_DIM), dtype=jnp.float32) * (1.0 / np.sqrt(IN_DIM))
    W_dec = jax.random.normal(k3, (OUT_DIM, CODE), dtype=jnp.float32) * (1.0 / np.sqrt(CODE))
    return {"x": x, "W_enc": W_enc, "W_dec": W_dec}

def reference(x, W_enc, W_dec):
    # encode: h = enc1(x); vq = argmax; one_hot
    h_lin = x @ W_enc.T  # [B, 16]
    vq = jnp.argmax(h_lin, axis=1)  # [B]
    h = jax.nn.one_hot(vq, CODE, dtype=jnp.float32)  # [B, 16]
    # decode
    y = h @ W_dec.T  # [B, 768]
    return y

if __name__ == "__main__":
    import jax
    _d = setup_inputs()
    print(jax.jit(kernel)(*tuple(_d.values())))

</pallas_src>

<mosaic_0001>
#map = affine_map<(d0, d1) -> (0, 0)>
module attributes {stable_mosaic.version = 14 : i64} {
  func.func @dec(%arg0: i32, %arg1: i32, %arg2: memref<128x128xi32, #tpu.memory_space<hbm>>, %arg3: memref<16x768xf32, #tpu.memory_space<hbm>>, %arg4: memref<16384x768xf32, #tpu.memory_space<hbm>>, %arg5: memref<128xi32, #tpu.memory_space<vmem>>, %arg6: memref<128x768xf32, #tpu.memory_space<vmem>>, %arg7: memref<!tpu.dma_semaphore, #tpu.memory_space<semaphore_mem>>) attributes {dimension_semantics = [#tpu.dimension_semantics<core_parallel>, #tpu.dimension_semantics<subcore_parallel>], iteration_bounds = array<i64: 2, 16>, scalar_prefetch = 0 : i64, scratch_operands = 3 : i64, tpu.core_type = #tpu.core_type<sc_vector_subcore>, window_params = [{transform_indices = #map}, {transform_indices = #map}, {transform_indices = #map}]} {
    %mul3A = arith.constant 2 : i32
    %mul3A_0 = arith.muli %arg1, %mul3A : i32
    %add3A = arith.addi %mul3A_0, %arg0 : i32
    %mul3A_1 = arith.constant 4 : i32
    %mul3A_2 = arith.muli %add3A, %mul3A_1 : i32
    %scan3A = arith.constant 0 : i32
    %scan3A_3 = arith.constant 0 : i32
    %scan3A_4 = arith.constant 4 : i32
    %scan3A_5 = arith.addi %scan3A_3, %scan3A_4 : i32
    %scan3A_6 = arith.constant 1 : i32
    %scan3A_7 = scf.for %scan3A_9 = %scan3A_3 to %scan3A_5 step %scan3A_6 iter_args(%scan3A_10 = %scan3A) -> (i32)  : i32 {
      %add3A_11 = arith.addi %mul3A_2, %scan3A_9 : i32
      "tpu.region"() ({
        %run_scoped3A = tpu.sem_alloc : memref<!tpu.dma_semaphore, #tpu.memory_space<semaphore_mem>>
        %dma_start3A_22 = arith.constant 0 : i32
        %dma_start3A_23 = tpu.memref_slice %arg2[%add3A_11, %dma_start3A_22] : memref<128x128xi32, #tpu.memory_space<hbm>> -> memref<1x128xi32, #tpu.memory_space<hbm>>
        %dma_start3A_24 = tpu.memref_squeeze %dma_start3A_23 : memref<1x128xi32, #tpu.memory_space<hbm>> -> memref<128xi32, #tpu.memory_space<hbm>>
        %dma_start3A_25 = arith.constant 0 : i32
        %dma_start3A_26 = tpu.memref_slice %arg2[%add3A_11, %dma_start3A_25] : memref<128x128xi32, #tpu.memory_space<hbm>> -> memref<1x128xi32, #tpu.memory_space<hbm>>
        %dma_start3A_27 = tpu.memref_squeeze %dma_start3A_26 : memref<1x128xi32, #tpu.memory_space<hbm>> -> memref<128xi32, #tpu.memory_space<hbm>>
        tpu.enqueue_dma source(%dma_start3A_27 : memref<128xi32, #tpu.memory_space<hbm>>) target(%arg5 : memref<128xi32, #tpu.memory_space<vmem>>) target_semaphore(%run_scoped3A : memref<!tpu.dma_semaphore, #tpu.memory_space<semaphore_mem>>)
        %dma_wait3A_28 = arith.constant 0 : i32
        %dma_wait3A_29 = tpu.memref_slice %arg2[%add3A_11, %dma_wait3A_28] : memref<128x128xi32, #tpu.memory_space<hbm>> -> memref<1x128xi32, #tpu.memory_space<hbm>>
        %dma_wait3A_30 = tpu.memref_squeeze %dma_wait3A_29 : memref<1x128xi32, #tpu.memory_space<hbm>> -> memref<128xi32, #tpu.memory_space<hbm>>
        %dma_wait3A_31 = arith.constant 0 : i32
        %dma_wait3A_32 = tpu.memref_slice %arg2[%add3A_11, %dma_wait3A_31] : memref<128x128xi32, #tpu.memory_space<hbm>> -> memref<1x128xi32, #tpu.memory_space<hbm>>
        %dma_wait3A_33 = tpu.memref_squeeze %dma_wait3A_32 : memref<1x128xi32, #tpu.memory_space<hbm>> -> memref<128xi32, #tpu.memory_space<hbm>>
        tpu.wait_dma2 semaphore(%run_scoped3A : memref<!tpu.dma_semaphore, #tpu.memory_space<semaphore_mem>>) src(%dma_wait3A_33 : memref<128xi32, #tpu.memory_space<hbm>>) dst(%arg5 : memref<128xi32, #tpu.memory_space<vmem>>)
        tpu.yield
      }) : () -> ()
      %dma_start3A = arith.constant 0 : i32
      %dma_start3A_12 = arith.constant 0 : i32
      %dma_start3A_13 = tpu.memref_slice %arg3[%dma_start3A, %dma_start3A_12] : memref<16x768xf32, #tpu.memory_space<hbm>> -> memref<16x768xf32, #tpu.memory_space<hbm>>
      tpu.enqueue_indirect_dma source(%dma_start3A_13 : memref<16x768xf32, #tpu.memory_space<hbm>>) target(%arg6 : memref<128x768xf32, #tpu.memory_space<vmem>>) offsets(%arg5 : memref<128xi32, #tpu.memory_space<vmem>>) semaphore(%arg7 : memref<!tpu.dma_semaphore, #tpu.memory_space<semaphore_mem>>)
      %dma_wait3A = arith.constant 0 : i32
      %dma_wait3A_14 = arith.constant 0 : i32
      %dma_wait3A_15 = tpu.memref_slice %arg3[%dma_wait3A, %dma_wait3A_14] : memref<16x768xf32, #tpu.memory_space<hbm>> -> memref<16x768xf32, #tpu.memory_space<hbm>>
      tpu.wait_indirect_dma semaphore(%arg7 : memref<!tpu.dma_semaphore, #tpu.memory_space<semaphore_mem>>) src(%dma_wait3A_15 : memref<16x768xf32, #tpu.memory_space<hbm>>) dst(%arg6 : memref<128x768xf32, #tpu.memory_space<vmem>>)
      %mul3A_16 = arith.constant 512 : i32
      %mul3A_17 = arith.muli %add3A, %mul3A_16 : i32
      %mul3A_18 = arith.constant 128 : i32
      %mul3A_19 = arith.muli %scan3A_9, %mul3A_18 : i32
      %add3A_20 = arith.addi %mul3A_17, %mul3A_19 : i32
      "tpu.region"() ({
        %run_scoped3A = tpu.sem_alloc : memref<!tpu.dma_semaphore, #tpu.memory_space<semaphore_mem>>
        %dma_start3A_22 = arith.constant 0 : i32
        %dma_start3A_23 = tpu.memref_slice %arg4[%add3A_20, %dma_start3A_22] : memref<16384x768xf32, #tpu.memory_space<hbm>> -> memref<128x768xf32, #tpu.memory_space<hbm>>
        %dma_start3A_24 = arith.constant 0 : i32
        %dma_start3A_25 = tpu.memref_slice %arg4[%add3A_20, %dma_start3A_24] : memref<16384x768xf32, #tpu.memory_space<hbm>> -> memref<128x768xf32, #tpu.memory_space<hbm>>
        tpu.enqueue_dma source(%arg6 : memref<128x768xf32, #tpu.memory_space<vmem>>) target(%dma_start3A_25 : memref<128x768xf32, #tpu.memory_space<hbm>>) target_semaphore(%run_scoped3A : memref<!tpu.dma_semaphore, #tpu.memory_space<semaphore_mem>>)
        %dma_wait3A_26 = arith.constant 0 : i32
        %dma_wait3A_27 = tpu.memref_slice %arg4[%add3A_20, %dma_wait3A_26] : memref<16384x768xf32, #tpu.memory_space<hbm>> -> memref<128x768xf32, #tpu.memory_space<hbm>>
        %dma_wait3A_28 = arith.constant 0 : i32
        %dma_wait3A_29 = tpu.memref_slice %arg4[%add3A_20, %dma_wait3A_28] : memref<16384x768xf32, #tpu.memory_space<hbm>> -> memref<128x768xf32, #tpu.memory_space<hbm>>
        tpu.wait_dma2 semaphore(%run_scoped3A : memref<!tpu.dma_semaphore, #tpu.memory_space<semaphore_mem>>) src(%arg6 : memref<128x768xf32, #tpu.memory_space<vmem>>) dst(%dma_wait3A_29 : memref<128x768xf32, #tpu.memory_space<hbm>>)
        tpu.yield
      }) : () -> ()
      %scan3A_21 = arith.constant 0 : i32
      scf.yield %scan3A_21 : i32
    }
    %scan3A_8 = arith.constant 4 : i32
    return
  }
}

module attributes {stable_mosaic.version = 14 : i64} {
  func.func @_enc_body(%arg0: memref<16384x1153xf32, #tpu.memory_space<any>>, %arg1: memref<1153x16xf32, #tpu.memory_space<vmem>>, %arg2: memref<128x128xi32, #tpu.memory_space<any>>, %arg3: memref<2x2048x1153xf32, #tpu.memory_space<vmem>>, %arg4: memref<2x16x128xi32, #tpu.memory_space<vmem>>, %arg5: memref<2x!tpu.dma_semaphore, #tpu.memory_space<semaphore_mem>>, %arg6: memref<2x!tpu.dma_semaphore, #tpu.memory_space<semaphore_mem>>) attributes {dimension_semantics = [], scalar_prefetch = 0 : i64, scratch_operands = 4 : i64, tpu.core_type = #tpu.core_type<tc>} {
    %get3A = arith.constant 0 : index
    %get3A_0 = arith.constant 0 : index
    %get3A_1 = vector.load %arg1[%get3A, %get3A_0] : memref<1153x16xf32, #tpu.memory_space<vmem>>, vector<1153x16xf32>
    %dma_start3A = arith.constant 0 : i32
    %dma_start3A_2 = arith.constant 0 : i32
    %dma_start3A_3 = tpu.memref_slice %arg5[%dma_start3A_2] : memref<2x!tpu.dma_semaphore, #tpu.memory_space<semaphore_mem>> -> memref<1x!tpu.dma_semaphore, #tpu.memory_space<semaphore_mem>>
    %dma_start3A_4 = tpu.memref_squeeze %dma_start3A_3 : memref<1x!tpu.dma_semaphore, #tpu.memory_space<semaphore_mem>> -> memref<!tpu.dma_semaphore, #tpu.memory_space<semaphore_mem>>
    %dma_start3A_5 = arith.constant 0 : i32
    %dma_start3A_6 = arith.constant 0 : i32
    %dma_start3A_7 = tpu.memref_slice %arg3[%dma_start3A, %dma_start3A_5, %dma_start3A_6] : memref<2x2048x1153xf32, #tpu.memory_space<vmem>> -> memref<1x2048x1153xf32, #tpu.memory_space<vmem>>
    %dma_start3A_8 = tpu.memref_squeeze %dma_start3A_7 : memref<1x2048x1153xf32, #tpu.memory_space<vmem>> -> memref<2048x1153xf32, #tpu.memory_space<vmem>>
    %dma_start3A_9 = arith.constant 0 : i32
    %dma_start3A_10 = arith.constant 0 : i32
    %dma_start3A_11 = tpu.memref_slice %arg0[%dma_start3A_9, %dma_start3A_10] : memref<16384x1153xf32, #tpu.memory_space<any>> -> memref<2048x1153xf32, #tpu.memory_space<any>>
    tpu.enqueue_dma source(%dma_start3A_11 : memref<2048x1153xf32, #tpu.memory_space<any>>) target(%dma_start3A_8 : memref<2048x1153xf32, #tpu.memory_space<vmem>>) target_semaphore(%dma_start3A_4 : memref<!tpu.dma_semaphore, #tpu.memory_space<semaphore_mem>>)
    %dma_start3A_12 = arith.constant 1 : i32
    %dma_start3A_13 = arith.constant 1 : i32
    %dma_start3A_14 = tpu.memref_slice %arg5[%dma_start3A_13] : memref<2x!tpu.dma_semaphore, #tpu.memory_space<semaphore_mem>> -> memref<1x!tpu.dma_semaphore, #tpu.memory_space<semaphore_mem>>
    %dma_start3A_15 = tpu.memref_squeeze %dma_start3A_14 : memref<1x!tpu.dma_semaphore, #tpu.memory_space<semaphore_mem>> -> memref<!tpu.dma_semaphore, #tpu.memory_space<semaphore_mem>>
    %dma_start3A_16 = arith.constant 0 : i32
    %dma_start3A_17 = arith.constant 0 : i32
    %dma_start3A_18 = tpu.memref_slice %arg3[%dma_start3A_12, %dma_start3A_16, %dma_start3A_17] : memref<2x2048x1153xf32, #tpu.memory_space<vmem>> -> memref<1x2048x1153xf32, #tpu.memory_space<vmem>>
    %dma_start3A_19 = tpu.memref_squeeze %dma_start3A_18 : memref<1x2048x1153xf32, #tpu.memory_space<vmem>> -> memref<2048x1153xf32, #tpu.memory_space<vmem>>
    %dma_start3A_20 = arith.constant 2048 : i32
    %dma_start3A_21 = arith.constant 0 : i32
    %dma_start3A_22 = tpu.memref_slice %arg0[%dma_start3A_20, %dma_start3A_21] : memref<16384x1153xf32, #tpu.memory_space<any>> -> memref<2048x1153xf32, #tpu.memory_space<any>>
    tpu.enqueue_dma source(%dma_start3A_22 : memref<2048x1153xf32, #tpu.memory_space<any>>) target(%dma_start3A_19 : memref<2048x1153xf32, #tpu.memory_space<vmem>>) target_semaphore(%dma_start3A_15 : memref<!tpu.dma_semaphore, #tpu.memory_space<semaphore_mem>>)
    %dma_wait3A = arith.constant 0 : i32
    %dma_wait3A_23 = arith.constant 0 : i32
    %dma_wait3A_24 = tpu.memref_slice %arg5[%dma_wait3A_23] : memref<2x!tpu.dma_semaphore, #tpu.memory_space<semaphore_mem>> -> memref<1x!tpu.dma_semaphore, #tpu.memory_space<semaphore_mem>>
    %dma_wait3A_25 = tpu.memref_squeeze %dma_wait3A_24 : memref<1x!tpu.dma_semaphore, #tpu.memory_space<semaphore_mem>> -> memref<!tpu.dma_semaphore, #tpu.memory_space<semaphore_mem>>
    %dma_wait3A_26 = arith.constant 0 : i32
    %dma_wait3A_27 = arith.constant 0 : i32
    %dma_wait3A_28 = tpu.memref_slice %arg3[%dma_wait3A, %dma_wait3A_26, %dma_wait3A_27] : memref<2x2048x1153xf32, #tpu.memory_space<vmem>> -> memref<1x2048x1153xf32, #tpu.memory_space<vmem>>
    %dma_wait3A_29 = tpu.memref_squeeze %dma_wait3A_28 : memref<1x2048x1153xf32, #tpu.memory_space<vmem>> -> memref<2048x1153xf32, #tpu.memory_space<vmem>>
    %dma_wait3A_30 = arith.constant 0 : i32
    %dma_wait3A_31 = arith.constant 0 : i32
    %dma_wait3A_32 = tpu.memref_slice %arg0[%dma_wait3A_30, %dma_wait3A_31] : memref<16384x1153xf32, #tpu.memory_space<any>> -> memref<2048x1153xf32, #tpu.memory_space<any>>
    tpu.wait_dma2 semaphore(%dma_wait3A_25 : memref<!tpu.dma_semaphore, #tpu.memory_space<semaphore_mem>>) src(%dma_wait3A_32 : memref<2048x1153xf32, #tpu.memory_space<any>>) dst(%dma_wait3A_29 : memref<2048x1153xf32, #tpu.memory_space<vmem>>)
    %get3A_33 = arith.constant 0 : index
    %get3A_34 = arith.constant 0 : index
    %get3A_35 = arith.constant 0 : index
    %get3A_36 = vector.load %arg3[%get3A_33, %get3A_34, %get3A_35] : memref<2x2048x1153xf32, #tpu.memory_space<vmem>>, vector<1x2048x1153xf32>
    %get3A_37 = vector.shape_cast %get3A_36 : vector<1x2048x1153xf32> to vector<2048x1153xf32>
    %dot_general3A = arith.constant dense<0.000000e+00> : vector<2048x16xf32>
    %dot_general3A_38 = tpu.matmul %get3A_37, %get3A_1, %dot_general3A {dimension_numbers = #tpu.dot_dimension_numbers<[1], [0], [0], [1], [0, 0, 1, 1], [], []>, transpose_lhs_hint = false} : vector<2048x1153xf32>, vector<1153x16xf32>, vector<2048x16xf32> -> vector<2048x16xf32>
    %reduce_max3A = arith.constant dense<0xFF800000> : vector<2048xf32>
    %reduce_max3A_39 = vector.multi_reduction <maximumf>, %dot_general3A_38, %reduce_max3A [1] : vector<2048x16xf32> to vector<2048xf32>
    %broadcast_in_dim3A = vector.shape_cast %reduce_max3A_39 : vector<2048xf32> to vector<2048x1xf32>
    %iota3A = tpu.iota {dimensions = array<i32: 1>} : vector<2048x16xi32>
    %ge3A = vector.broadcast %broadcast_in_dim3A : vector<2048x1xf32> to vector<2048x16xf32>
    %ge3A_40 = arith.cmpf oge, %dot_general3A_38, %ge3A : vector<2048x16xf32>
    %jit3A = arith.constant 16 : i32
    %broadcast_in_dim3A_41 = vector.broadcast %jit3A : i32 to vector<2048x16xi32>
    %select_n3A = arith.select %ge3A_40, %iota3A, %broadcast_in_dim3A_41 : vector<2048x16xi1>, vector<2048x16xi32>
    %reduce_min3A = arith.constant dense<2147483647> : vector<2048xi32>
    %reduce_min3A_42 = vector.multi_reduction <minsi>, %select_n3A, %reduce_min3A [1] : vector<2048x16xi32> to vector<2048xi32>
    %broadcast_in_dim3A_43 = vector.shape_cast %reduce_min3A_42 : vector<2048xi32> to vector<2048x1xi32>
    %dma_start3A_44 = arith.constant 0 : i32
    %dma_start3A_45 = arith.constant 0 : i32
    %dma_start3A_46 = tpu.memref_slice %arg5[%dma_start3A_45] : memref<2x!tpu.dma_semaphore, #tpu.memory_space<semaphore_mem>> -> memref<1x!tpu.dma_semaphore, #tpu.memory_space<semaphore_mem>>
    %dma_start3A_47 = tpu.memref_squeeze %dma_start3A_46 : memref<1x!tpu.dma_semaphore, #tpu.memory_space<semaphore_mem>> -> memref<!tpu.dma_semaphore, #tpu.memory_space<semaphore_mem>>
    %dma_start3A_48 = arith.constant 0 : i32
    %dma_start3A_49 = arith.constant 0 : i32
    %dma_start3A_50 = tpu.memref_slice %arg3[%dma_start3A_44, %dma_start3A_48, %dma_start3A_49] : memref<2x2048x1153xf32, #tpu.memory_space<vmem>> -> memref<1x2048x1153xf32, #tpu.memory_space<vmem>>
    %dma_start3A_51 = tpu.memref_squeeze %dma_start3A_50 : memref<1x2048x1153xf32, #tpu.memory_space<vmem>> -> memref<2048x1153xf32, #tpu.memory_space<vmem>>
    %dma_start3A_52 = arith.constant 4096 : i32
    %dma_start3A_53 = arith.constant 0 : i32
    %dma_start3A_54 = tpu.memref_slice %arg0[%dma_start3A_52, %dma_start3A_53] : memref<16384x1153xf32, #tpu.memory_space<any>> -> memref<2048x1153xf32, #tpu.memory_space<any>>
    tpu.enqueue_dma source(%dma_start3A_54 : memref<2048x1153xf32, #tpu.memory_space<any>>) target(%dma_start3A_51 : memref<2048x1153xf32, #tpu.memory_space<vmem>>) target_semaphore(%dma_start3A_47 : memref<!tpu.dma_semaphore, #tpu.memory_space<semaphore_mem>>)
    %reshape3A = vector.shape_cast %broadcast_in_dim3A_43 : vector<2048x1xi32> to vector<16x128xi32>
    %swap3A = arith.constant 0 : index
    %swap3A_55 = arith.constant 0 : index
    %swap3A_56 = arith.constant 0 : index
    %swap3A_57 = vector.load %arg4[%swap3A, %swap3A_55, %swap3A_56] : memref<2x16x128xi32, #tpu.memory_space<vmem>>, vector<1x16x128xi32>
    %swap3A_58 = vector.shape_cast %swap3A_57 : vector<1x16x128xi32> to vector<16x128xi32>
    %swap3A_59 = vector.shape_cast %reshape3A : vector<16x128xi32> to vector<1x16x128xi32>
    tpu.vector_store %arg4[%swap3A, %swap3A_55, %swap3A_56], %swap3A_59 {strides = array<i32>} : memref<2x16x128xi32, #tpu.memory_space<vmem>>, vector<1x16x128xi32>,
    %dma_start3A_60 = arith.constant 0 : i32
    %dma_start3A_61 = arith.constant 0 : i32
    %dma_start3A_62 = tpu.memref_slice %arg6[%dma_start3A_61] : memref<2x!tpu.dma_semaphore, #tpu.memory_space<semaphore_mem>> -> memref<1x!tpu.dma_semaphore, #tpu.memory_space<semaphore_mem>>
    %dma_start3A_63 = tpu.memref_squeeze %dma_start3A_62 : memref<1x!tpu.dma_semaphore, #tpu.memory_space<semaphore_mem>> -> memref<!tpu.dma_semaphore, #tpu.memory_space<semaphore_mem>>
    %dma_start3A_64 = arith.constant 0 : i32
    %dma_start3A_65 = arith.constant 0 : i32
    %dma_start3A_66 = tpu.memref_slice %arg2[%dma_start3A_64, %dma_start3A_65] : memref<128x128xi32, #tpu.memory_space<any>> -> memref<16x128xi32, #tpu.memory_space<any>>
    %dma_start3A_67 = arith.constant 0 : i32
    %dma_start3A_68 = arith.constant 0 : i32
    %dma_start3A_69 = tpu.memref_slice %arg4[%dma_start3A_60, %dma_start3A_67, %dma_start3A_68] : memref<2x16x128xi32, #tpu.memory_space<vmem>> -> memref<1x16x128xi32, #tpu.memory_space<vmem>>
    %dma_start3A_70 = tpu.memref_squeeze %dma_start3A_69 : memref<1x16x128xi32, #tpu.memory_space<vmem>> -> memref<16x128xi32, #tpu.memory_space<vmem>>
    tpu.enqueue_dma source(%dma_start3A_70 : memref<16x128xi32, #tpu.memory_space<vmem>>) target(%dma_start3A_66 : memref<16x128xi32, #tpu.memory_space<any>>) target_semaphore(%dma_start3A_63 : memref<!tpu.dma_semaphore, #tpu.memory_space<semaphore_mem>>)
    %dma_wait3A_71 = arith.constant 1 : i32
    %dma_wait3A_72 = arith.constant 1 : i32
    %dma_wait3A_73 = tpu.memref_slice %arg5[%dma_wait3A_72] : memref<2x!tpu.dma_semaphore, #tpu.memory_space<semaphore_mem>> -> memref<1x!tpu.dma_semaphore, #tpu.memory_space<semaphore_mem>>
    %dma_wait3A_74 = tpu.memref_squeeze %dma_wait3A_73 : memref<1x!tpu.dma_semaphore, #tpu.memory_space<semaphore_mem>> -> memref<!tpu.dma_semaphore, #tpu.memory_space<semaphore_mem>>
    %dma_wait3A_75 = arith.constant 0 : i32
    %dma_wait3A_76 = arith.constant 0 : i32
    %dma_wait3A_77 = tpu.memref_slice %arg3[%dma_wait3A_71, %dma_wait3A_75, %dma_wait3A_76] : memref<2x2048x1153xf32, #tpu.memory_space<vmem>> -> memref<1x2048x1153xf32, #tpu.memory_space<vmem>>
    %dma_wait3A_78 = tpu.memref_squeeze %dma_wait3A_77 : memref<1x2048x1153xf32, #tpu.memory_space<vmem>> -> memref<2048x1153xf32, #tpu.memory_space<vmem>>
    %dma_wait3A_79 = arith.constant 0 : i32
    %dma_wait3A_80 = arith.constant 0 : i32
    %dma_wait3A_81 = tpu.memref_slice %arg0[%dma_wait3A_79, %dma_wait3A_80] : memref<16384x1153xf32, #tpu.memory_space<any>> -> memref<2048x1153xf32, #tpu.memory_space<any>>
    tpu.wait_dma2 semaphore(%dma_wait3A_74 : memref<!tpu.dma_semaphore, #tpu.memory_space<semaphore_mem>>) src(%dma_wait3A_81 : memref<2048x1153xf32, #tpu.memory_space<any>>) dst(%dma_wait3A_78 : memref<2048x1153xf32, #tpu.memory_space<vmem>>)
    %get3A_82 = arith.constant 1 : index
    %get3A_83 = arith.constant 0 : index
    %get3A_84 = arith.constant 0 : index
    %get3A_85 = vector.load %arg3[%get3A_82, %get3A_83, %get3A_84] : memref<2x2048x1153xf32, #tpu.memory_space<vmem>>, vector<1x2048x1153xf32>
    %get3A_86 = vector.shape_cast %get3A_85 : vector<1x2048x1153xf32> to vector<2048x1153xf32>
    %dot_general3A_87 = arith.constant dense<0.000000e+00> : vector<2048x16xf32>
    %dot_general3A_88 = tpu.matmul %get3A_86, %get3A_1, %dot_general3A_87 {dimension_numbers = #tpu.dot_dimension_numbers<[1], [0], [0], [1], [0, 0, 1, 1], [], []>, transpose_lhs_hint = false} : vector<2048x1153xf32>, vector<1153x16xf32>, vector<2048x16xf32> -> vector<2048x16xf32>
    %reduce_max3A_89 = arith.constant dense<0xFF800000> : vector<2048xf32>
    %reduce_max3A_90 = vector.multi_reduction <maximumf>, %dot_general3A_88, %reduce_max3A_89 [1] : vector<2048x16xf32> to vector<2048xf32>
    %broadcast_in_dim3A_91 = vector.shape_cast %reduce_max3A_90 : vector<2048xf32> to vector<2048x1xf32>
    %iota3A_92 = tpu.iota {dimensions = array<i32: 1>} : vector<2048x16xi32>
    %ge3A_93 = vector.broadcast %broadcast_in_dim3A_91 : vector<2048x1xf32> to vector<2048x16xf32>
    %ge3A_94 = arith.cmpf oge, %dot_general3A_88, %ge3A_93 : vector<2048x16xf32>
    %jit3A_95 = arith.constant 16 : i32
    %broadcast_in_dim3A_96 = vector.broadcast %jit3A_95 : i32 to vector<2048x16xi32>
    %select_n3A_97 = arith.select %ge3A_94, %iota3A_92, %broadcast_in_dim3A_96 : vector<2048x16xi1>, vector<2048x16xi32>
    %reduce_min3A_98 = arith.constant dense<2147483647> : vector<2048xi32>
    %reduce_min3A_99 = vector.multi_reduction <minsi>, %select_n3A_97, %reduce_min3A_98 [1] : vector<2048x16xi32> to vector<2048xi32>
    %broadcast_in_dim3A_100 = vector.shape_cast %reduce_min3A_99 : vector<2048xi32> to vector<2048x1xi32>
    %dma_start3A_101 = arith.constant 1 : i32
    %dma_start3A_102 = arith.constant 1 : i32
    %dma_start3A_103 = tpu.memref_slice %arg5[%dma_start3A_102] : memref<2x!tpu.dma_semaphore, #tpu.memory_space<semaphore_mem>> -> memref<1x!tpu.dma_semaphore, #tpu.memory_space<semaphore_mem>>
    %dma_start3A_104 = tpu.memref_squeeze %dma_start3A_103 : memref<1x!tpu.dma_semaphore, #tpu.memory_space<semaphore_mem>> -> memref<!tpu.dma_semaphore, #tpu.memory_space<semaphore_mem>>
    %dma_start3A_105 = arith.constant 0 : i32
    %dma_start3A_106 = arith.constant 0 : i32
    %dma_start3A_107 = tpu.memref_slice %arg3[%dma_start3A_101, %dma_start3A_105, %dma_start3A_106] : memref<2x2048x1153xf32, #tpu.memory_space<vmem>> -> memref<1x2048x1153xf32, #tpu.memory_space<vmem>>
    %dma_start3A_108 = tpu.memref_squeeze %dma_start3A_107 : memref<1x2048x1153xf32, #tpu.memory_space<vmem>> -> memref<2048x1153xf32, #tpu.memory_space<vmem>>
    %dma_start3A_109 = arith.constant 6144 : i32
    %dma_start3A_110 = arith.constant 0 : i32
    %dma_start3A_111 = tpu.memref_slice %arg0[%dma_start3A_109, %dma_start3A_110] : memref<16384x1153xf32, #tpu.memory_space<any>> -> memref<2048x1153xf32, #tpu.memory_space<any>>
    tpu.enqueue_dma source(%dma_start3A_111 : memref<2048x1153xf32, #tpu.memory_space<any>>) target(%dma_start3A_108 : memref<2048x1153xf32, #tpu.memory_space<vmem>>) target_semaphore(%dma_start3A_104 : memref<!tpu.dma_semaphore, #tpu.memory_space<semaphore_mem>>)
    %reshape3A_112 = vector.shape_cast %broadcast_in_dim3A_100 : vector<2048x1xi32> to vector<16x128xi32>
    %swap3A_113 = arith.constant 1 : index
    %swap3A_114 = arith.constant 0 : index
    %swap3A_115 = arith.constant 0 : index
    %swap3A_116 = vector.load %arg4[%swap3A_113, %swap3A_114, %swap3A_115] : memref<2x16x128xi32, #tpu.memory_space<vmem>>, vector<1x16x128xi32>
    %swap3A_117 = vector.shape_cast %swap3A_116 : vector<1x16x128xi32> to vector<16x128xi32>
    %swap3A_118 = vector.shape_cast %reshape3A_112 : vector<16x128xi32> to vector<1x16x128xi32>
    tpu.vector_store %arg4[%swap3A_113, %swap3A_114, %swap3A_115], %swap3A_118 {strides = array<i32>} : memref<2x16x128xi32, #tpu.memory_space<vmem>>, vector<1x16x128xi32>,
    %dma_start3A_119 = arith.constant 1 : i32
    %dma_start3A_120 = arith.constant 1 : i32
    %dma_start3A_121 = tpu.memref_slice %arg6[%dma_start3A_120] : memref<2x!tpu.dma_semaphore, #tpu.memory_space<semaphore_mem>> -> memref<1x!tpu.dma_semaphore, #tpu.memory_space<semaphore_mem>>
    %dma_start3A_122 = tpu.memref_squeeze %dma_start3A_121 : memref<1x!tpu.dma_semaphore, #tpu.memory_space<semaphore_mem>> -> memref<!tpu.dma_semaphore, #tpu.memory_space<semaphore_mem>>
    %dma_start3A_123 = arith.constant 16 : i32
    %dma_start3A_124 = arith.constant 0 : i32
    %dma_start3A_125 = tpu.memref_slice %arg2[%dma_start3A_123, %dma_start3A_124] : memref<128x128xi32, #tpu.memory_space<any>> -> memref<16x128xi32, #tpu.memory_space<any>>
    %dma_start3A_126 = arith.constant 0 : i32
    %dma_start3A_127 = arith.constant 0 : i32
    %dma_start3A_128 = tpu.memref_slice %arg4[%dma_start3A_119, %dma_start3A_126, %dma_start3A_127] : memref<2x16x128xi32, #tpu.memory_space<vmem>> -> memref<1x16x128xi32, #tpu.memory_space<vmem>>
    %dma_start3A_129 = tpu.memref_squeeze %dma_start3A_128 : memref<1x16x128xi32, #tpu.memory_space<vmem>> -> memref<16x128xi32, #tpu.memory_space<vmem>>
    tpu.enqueue_dma source(%dma_start3A_129 : memref<16x128xi32, #tpu.memory_space<vmem>>) target(%dma_start3A_125 : memref<16x128xi32, #tpu.memory_space<any>>) target_semaphore(%dma_start3A_122 : memref<!tpu.dma_semaphore, #tpu.memory_space<semaphore_mem>>)
    %dma_wait3A_130 = arith.constant 0 : i32
    %dma_wait3A_131 = arith.constant 0 : i32
    %dma_wait3A_132 = tpu.memref_slice %arg5[%dma_wait3A_131] : memref<2x!tpu.dma_semaphore, #tpu.memory_space<semaphore_mem>> -> memref<1x!tpu.dma_semaphore, #tpu.memory_space<semaphore_mem>>
    %dma_wait3A_133 = tpu.memref_squeeze %dma_wait3A_132 : memref<1x!tpu.dma_semaphore, #tpu.memory_space<semaphore_mem>> -> memref<!tpu.dma_semaphore, #tpu.memory_space<semaphore_mem>>
    %dma_wait3A_134 = arith.constant 0 : i32
    %dma_wait3A_135 = arith.constant 0 : i32
    %dma_wait3A_136 = tpu.memref_slice %arg3[%dma_wait3A_130, %dma_wait3A_134, %dma_wait3A_135] : memref<2x2048x1153xf32, #tpu.memory_space<vmem>> -> memref<1x2048x1153xf32, #tpu.memory_space<vmem>>
    %dma_wait3A_137 = tpu.memref_squeeze %dma_wait3A_136 : memref<1x2048x1153xf32, #tpu.memory_space<vmem>> -> memref<2048x1153xf32, #tpu.memory_space<vmem>>
    %dma_wait3A_138 = arith.constant 0 : i32
    %dma_wait3A_139 = arith.constant 0 : i32
    %dma_wait3A_140 = tpu.memref_slice %arg0[%dma_wait3A_138, %dma_wait3A_139] : memref<16384x1153xf32, #tpu.memory_space<any>> -> memref<2048x1153xf32, #tpu.memory_space<any>>
    tpu.wait_dma2 semaphore(%dma_wait3A_133 : memref<!tpu.dma_semaphore, #tpu.memory_space<semaphore_mem>>) src(%dma_wait3A_140 : memref<2048x1153xf32, #tpu.memory_space<any>>) dst(%dma_wait3A_137 : memref<2048x1153xf32, #tpu.memory_space<vmem>>)
    %get3A_141 = arith.constant 0 : index
    %get3A_142 = arith.constant 0 : index
    %get3A_143 = arith.constant 0 : index
    %get3A_144 = vector.load %arg3[%get3A_141, %get3A_142, %get3A_143] : memref<2x2048x1153xf32, #tpu.memory_space<vmem>>, vector<1x2048x1153xf32>
    %get3A_145 = vector.shape_cast %get3A_144 : vector<1x2048x1153xf32> to vector<2048x1153xf32>
    %dot_general3A_146 = arith.constant dense<0.000000e+00> : vector<2048x16xf32>
    %dot_general3A_147 = tpu.matmul %get3A_145, %get3A_1, %dot_general3A_146 {dimension_numbers = #tpu.dot_dimension_numbers<[1], [0], [0], [1], [0, 0, 1, 1], [], []>, transpose_lhs_hint = false} : vector<2048x1153xf32>, vector<1153x16xf32>, vector<2048x16xf32> -> vector<2048x16xf32>
    %reduce_max3A_148 = arith.constant dense<0xFF800000> : vector<2048xf32>
    %reduce_max3A_149 = vector.multi_reduction <maximumf>, %dot_general3A_147, %reduce_max3A_148 [1] : vector<2048x16xf32> to vector<2048xf32>
    %broadcast_in_dim3A_150 = vector.shape_cast %reduce_max3A_149 : vector<2048xf32> to vector<2048x1xf32>
    %iota3A_151 = tpu.iota {dimensions = array<i32: 1>} : vector<2048x16xi32>
    %ge3A_152 = vector.broadcast %broadcast_in_dim3A_150 : vector<2048x1xf32> to vector<2048x16xf32>
    %ge3A_153 = arith.cmpf oge, %dot_general3A_147, %ge3A_152 : vector<2048x16xf32>
    %jit3A_154 = arith.constant 16 : i32
    %broadcast_in_dim3A_155 = vector.broadcast %jit3A_154 : i32 to vector<2048x16xi32>
    %select_n3A_156 = arith.select %ge3A_153, %iota3A_151, %broadcast_in_dim3A_155 : vector<2048x16xi1>, vector<2048x16xi32>
    %reduce_min3A_157 = arith.constant dense<2147483647> : vector<2048xi32>
    %reduce_min3A_158 = vector.multi_reduction <minsi>, %select_n3A_156, %reduce_min3A_157 [1] : vector<2048x16xi32> to vector<2048xi32>
    %broadcast_in_dim3A_159 = vector.shape_cast %reduce_min3A_158 : vector<2048xi32> to vector<2048x1xi32>
    %dma_start3A_160 = arith.constant 0 : i32
    %dma_start3A_161 = arith.constant 0 : i32
    %dma_start3A_162 = tpu.memref_slice %arg5[%dma_start3A_161] : memref<2x!tpu.dma_semaphore, #tpu.memory_space<semaphore_mem>> -> memref<1x!tpu.dma_semaphore, #tpu.memory_space<semaphore_mem>>
    %dma_start3A_163 = tpu.memref_squeeze %dma_start3A_162 : memref<1x!tpu.dma_semaphore, #tpu.memory_space<semaphore_mem>> -> memref<!tpu.dma_semaphore, #tpu.memory_space<semaphore_mem>>
    %dma_start3A_164 = arith.constant 0 : i32
    %dma_start3A_165 = arith.constant 0 : i32
    %dma_start3A_166 = tpu.memref_slice %arg3[%dma_start3A_160, %dma_start3A_164, %dma_start3A_165] : memref<2x2048x1153xf32, #tpu.memory_space<vmem>> -> memref<1x2048x1153xf32, #tpu.memory_space<vmem>>
    %dma_start3A_167 = tpu.memref_squeeze %dma_start3A_166 : memref<1x2048x1153xf32, #tpu.memory_space<vmem>> -> memref<2048x1153xf32, #tpu.memory_space<vmem>>
    %dma_start3A_168 = arith.constant 8192 : i32
    %dma_start3A_169 = arith.constant 0 : i32
    %dma_start3A_170 = tpu.memref_slice %arg0[%dma_start3A_168, %dma_start3A_169] : memref<16384x1153xf32, #tpu.memory_space<any>> -> memref<2048x1153xf32, #tpu.memory_space<any>>
    tpu.enqueue_dma source(%dma_start3A_170 : memref<2048x1153xf32, #tpu.memory_space<any>>) target(%dma_start3A_167 : memref<2048x1153xf32, #tpu.memory_space<vmem>>) target_semaphore(%dma_start3A_163 : memref<!tpu.dma_semaphore, #tpu.memory_space<semaphore_mem>>)
    %dma_wait3A_171 = arith.constant 0 : i32
    %dma_wait3A_172 = arith.constant 0 : i32
    %dma_wait3A_173 = tpu.memref_slice %arg6[%dma_wait3A_172] : memref<2x!tpu.dma_semaphore, #tpu.memory_space<semaphore_mem>> -> memref<1x!tpu.dma_semaphore, #tpu.memory_space<semaphore_mem>>
    %dma_wait3A_174 = tpu.memref_squeeze %dma_wait3A_173 : memref<1x!tpu.dma_semaphore, #tpu.memory_space<semaphore_mem>> -> memref<!tpu.dma_semaphore, #tpu.memory_space<semaphore_mem>>
    %dma_wait3A_175 = arith.constant 0 : i32
    %dma_wait3A_176 = arith.constant 0 : i32
    %dma_wait3A_177 = tpu.memref_slice %arg2[%dma_wait3A_175, %dma_wait3A_176] : memref<128x128xi32, #tpu.memory_space<any>> -> memref<16x128xi32, #tpu.memory_space<any>>
    %dma_wait3A_178 = arith.constant 0 : i32
    %dma_wait3A_179 = arith.constant 0 : i32
    %dma_wait3A_180 = tpu.memref_slice %arg4[%dma_wait3A_171, %dma_wait3A_178, %dma_wait3A_179] : memref<2x16x128xi32, #tpu.memory_space<vmem>> -> memref<1x16x128xi32, #tpu.memory_space<vmem>>
    %dma_wait3A_181 = tpu.memref_squeeze %dma_wait3A_180 : memref<1x16x128xi32, #tpu.memory_space<vmem>> -> memref<16x128xi32, #tpu.memory_space<vmem>>
    tpu.wait_dma2 semaphore(%dma_wait3A_174 : memref<!tpu.dma_semaphore, #tpu.memory_space<semaphore_mem>>) src(%dma_wait3A_181 : memref<16x128xi32, #tpu.memory_space<vmem>>) dst(%dma_wait3A_177 : memref<16x128xi32, #tpu.memory_space<any>>)
    %reshape3A_182 = vector.shape_cast %broadcast_in_dim3A_159 : vector<2048x1xi32> to vector<16x128xi32>
    %swap3A_183 = arith.constant 0 : index
    %swap3A_184 = arith.constant 0 : index
    %swap3A_185 = arith.constant 0 : index
    %swap3A_186 = vector.load %arg4[%swap3A_183, %swap3A_184, %swap3A_185] : memref<2x16x128xi32, #tpu.memory_space<vmem>>, vector<1x16x128xi32>
    %swap3A_187 = vector.shape_cast %swap3A_186 : vector<1x16x128xi32> to vector<16x128xi32>
    %swap3A_188 = vector.shape_cast %reshape3A_182 : vector<16x128xi32> to vector<1x16x128xi32>
    tpu.vector_store %arg4[%swap3A_183, %swap3A_184, %swap3A_185], %swap3A_188 {strides = array<i32>} : memref<2x16x128xi32, #tpu.memory_space<vmem>>, vector<1x16x128xi32>,
    %dma_start3A_189 = arith.constant 0 : i32
    %dma_start3A_190 = arith.constant 0 : i32
    %dma_start3A_191 = tpu.memref_slice %arg6[%dma_start3A_190] : memref<2x!tpu.dma_semaphore, #tpu.memory_space<semaphore_mem>> -> memref<1x!tpu.dma_semaphore, #tpu.memory_space<semaphore_mem>>
    %dma_start3A_192 = tpu.memref_squeeze %dma_start3A_191 : memref<1x!tpu.dma_semaphore, #tpu.memory_space<semaphore_mem>> -> memref<!tpu.dma_semaphore, #tpu.memory_space<semaphore_mem>>
    %dma_start3A_193 = arith.constant 32 : i32
    %dma_start3A_194 = arith.constant 0 : i32
    %dma_start3A_195 = tpu.memref_slice %arg2[%dma_start3A_193, %dma_start3A_194] : memref<128x128xi32, #tpu.memory_space<any>> -> memref<16x128xi32, #tpu.memory_space<any>>
    %dma_start3A_196 = arith.constant 0 : i32
    %dma_start3A_197 = arith.constant 0 : i32
    %dma_start3A_198 = tpu.memref_slice %arg4[%dma_start3A_189, %dma_start3A_196, %dma_start3A_197] : memref<2x16x128xi32, #tpu.memory_space<vmem>> -> memref<1x16x128xi32, #tpu.memory_space<vmem>>
    %dma_start3A_199 = tpu.memref_squeeze %dma_start3A_198 : memref<1x16x128xi32, #tpu.memory_space<vmem>> -> memref<16x128xi32, #tpu.memory_space<vmem>>
    tpu.enqueue_dma source(%dma_start3A_199 : memref<16x128xi32, #tpu.memory_space<vmem>>) target(%dma_start3A_195 : memref<16x128xi32, #tpu.memory_space<any>>) target_semaphore(%dma_start3A_192 : memref<!tpu.dma_semaphore, #tpu.memory_space<semaphore_mem>>)
    %dma_wait3A_200 = arith.constant 1 : i32
    %dma_wait3A_201 = arith.constant 1 : i32
    %dma_wait3A_202 = tpu.memref_slice %arg5[%dma_wait3A_201] : memref<2x!tpu.dma_semaphore, #tpu.memory_space<semaphore_mem>> -> memref<1x!tpu.dma_semaphore, #tpu.memory_space<semaphore_mem>>
    %dma_wait3A_203 = tpu.memref_squeeze %dma_wait3A_202 : memref<1x!tpu.dma_semaphore, #tpu.memory_space<semaphore_mem>> -> memref<!tpu.dma_semaphore, #tpu.memory_space<semaphore_mem>>
    %dma_wait3A_204 = arith.constant 0 : i32
    %dma_wait3A_205 = arith.constant 0 : i32
    %dma_wait3A_206 = tpu.memref_slice %arg3[%dma_wait3A_200, %dma_wait3A_204, %dma_wait3A_205] : memref<2x2048x1153xf32, #tpu.memory_space<vmem>> -> memref<1x2048x1153xf32, #tpu.memory_space<vmem>>
    %dma_wait3A_207 = tpu.memref_squeeze %dma_wait3A_206 : memref<1x2048x1153xf32, #tpu.memory_space<vmem>> -> memref<2048x1153xf32, #tpu.memory_space<vmem>>
    %dma_wait3A_208 = arith.constant 0 : i32
    %dma_wait3A_209 = arith.constant 0 : i32
    %dma_wait3A_210 = tpu.memref_slice %arg0[%dma_wait3A_208, %dma_wait3A_209] : memref<16384x1153xf32, #tpu.memory_space<any>> -> memref<2048x1153xf32, #tpu.memory_space<any>>
    tpu.wait_dma2 semaphore(%dma_wait3A_203 : memref<!tpu.dma_semaphore, #tpu.memory_space<semaphore_mem>>) src(%dma_wait3A_210 : memref<2048x1153xf32, #tpu.memory_space<any>>) dst(%dma_wait3A_207 : memref<2048x1153xf32, #tpu.memory_space<vmem>>)
    %get3A_211 = arith.constant 1 : index
    %get3A_212 = arith.constant 0 : index
    %get3A_213 = arith.constant 0 : index
    %get3A_214 = vector.load %arg3[%get3A_211, %get3A_212, %get3A_213] : memref<2x2048x1153xf32, #tpu.memory_space<vmem>>, vector<1x2048x1153xf32>
    %get3A_215 = vector.shape_cast %get3A_214 : vector<1x2048x1153xf32> to vector<2048x1153xf32>
    %dot_general3A_216 = arith.constant dense<0.000000e+00> : vector<2048x16xf32>
    %dot_general3A_217 = tpu.matmul %get3A_215, %get3A_1, %dot_general3A_216 {dimension_numbers = #tpu.dot_dimension_numbers<[1], [0], [0], [1], [0, 0, 1, 1], [], []>, transpose_lhs_hint = false} : vector<2048x1153xf32>, vector<1153x16xf32>, vector<2048x16xf32> -> vector<2048x16xf32>
    %reduce_max3A_218 = arith.constant dense<0xFF800000> : vector<2048xf32>
    %reduce_max3A_219 = vector.multi_reduction <maximumf>, %dot_general3A_217, %reduce_max3A_218 [1] : vector<2048x16xf32> to vector<2048xf32>
    %broadcast_in_dim3A_220 = vector.shape_cast %reduce_max3A_219 : vector<2048xf32> to vector<2048x1xf32>
    %iota3A_221 = tpu.iota {dimensions = array<i32: 1>} : vector<2048x16xi32>
    %ge3A_222 = vector.broadcast %broadcast_in_dim3A_220 : vector<2048x1xf32> to vector<2048x16xf32>
    %ge3A_223 = arith.cmpf oge, %dot_general3A_217, %ge3A_222 : vector<2048x16xf32>
    %jit3A_224 = arith.constant 16 : i32
    %broadcast_in_dim3A_225 = vector.broadcast %jit3A_224 : i32 to vector<2048x16xi32>
    %select_n3A_226 = arith.select %ge3A_223, %iota3A_221, %broadcast_in_dim3A_225 : vector<2048x16xi1>, vector<2048x16xi32>
    %reduce_min3A_227 = arith.constant dense<2147483647> : vector<2048xi32>
    %reduce_min3A_228 = vector.multi_reduction <minsi>, %select_n3A_226, %reduce_min3A_227 [1] : vector<2048x16xi32> to vector<2048xi32>
    %broadcast_in_dim3A_229 = vector.shape_cast %reduce_min3A_228 : vector<2048xi32> to vector<2048x1xi32>
    %dma_start3A_230 = arith.constant 1 : i32
    %dma_start3A_231 = arith.constant 1 : i32
    %dma_start3A_232 = tpu.memref_slice %arg5[%dma_start3A_231] : memref<2x!tpu.dma_semaphore, #tpu.memory_space<semaphore_mem>> -> memref<1x!tpu.dma_semaphore, #tpu.memory_space<semaphore_mem>>
    %dma_start3A_233 = tpu.memref_squeeze %dma_start3A_232 : memref<1x!tpu.dma_semaphore, #tpu.memory_space<semaphore_mem>> -> memref<!tpu.dma_semaphore, #tpu.memory_space<semaphore_mem>>
    %dma_start3A_234 = arith.constant 0 : i32
    %dma_start3A_235 = arith.constant 0 : i32
    %dma_start3A_236 = tpu.memref_slice %arg3[%dma_start3A_230, %dma_start3A_234, %dma_start3A_235] : memref<2x2048x1153xf32, #tpu.memory_space<vmem>> -> memref<1x2048x1153xf32, #tpu.memory_space<vmem>>
    %dma_start3A_237 = tpu.memref_squeeze %dma_start3A_236 : memref<1x2048x1153xf32, #tpu.memory_space<vmem>> -> memref<2048x1153xf32, #tpu.memory_space<vmem>>
    %dma_start3A_238 = arith.constant 10240 : i32
    %dma_start3A_239 = arith.constant 0 : i32
    %dma_start3A_240 = tpu.memref_slice %arg0[%dma_start3A_238, %dma_start3A_239] : memref<16384x1153xf32, #tpu.memory_space<any>> -> memref<2048x1153xf32, #tpu.memory_space<any>>
    tpu.enqueue_dma source(%dma_start3A_240 : memref<2048x1153xf32, #tpu.memory_space<any>>) target(%dma_start3A_237 : memref<2048x1153xf32, #tpu.memory_space<vmem>>) target_semaphore(%dma_start3A_233 : memref<!tpu.dma_semaphore, #tpu.memory_space<semaphore_mem>>)
    %dma_wait3A_241 = arith.constant 1 : i32
    %dma_wait3A_242 = arith.constant 1 : i32
    %dma_wait3A_243 = tpu.memref_slice %arg6[%dma_wait3A_242] : memref<2x!tpu.dma_semaphore, #tpu.memory_space<semaphore_mem>> -> memref<1x!tpu.dma_semaphore, #tpu.memory_space<semaphore_mem>>
    %dma_wait3A_244 = tpu.memref_squeeze %dma_wait3A_243 : memref<1x!tpu.dma_semaphore, #tpu.memory_space<semaphore_mem>> -> memref<!tpu.dma_semaphore, #tpu.memory_space<semaphore_mem>>
    %dma_wait3A_245 = arith.constant 0 : i32
    %dma_wait3A_246 = arith.constant 0 : i32
    %dma_wait3A_247 = tpu.memref_slice %arg2[%dma_wait3A_245, %dma_wait3A_246] : memref<128x128xi32, #tpu.memory_space<any>> -> memref<16x128xi32, #tpu.memory_space<any>>
    %dma_wait3A_248 = arith.constant 0 : i32
    %dma_wait3A_249 = arith.constant 0 : i32
    %dma_wait3A_250 = tpu.memref_slice %arg4[%dma_wait3A_241, %dma_wait3A_248, %dma_wait3A_249] : memref<2x16x128xi32, #tpu.memory_space<vmem>> -> memref<1x16x128xi32, #tpu.memory_space<vmem>>
    %dma_wait3A_251 = tpu.memref_squeeze %dma_wait3A_250 : memref<1x16x128xi32, #tpu.memory_space<vmem>> -> memref<16x128xi32, #tpu.memory_space<vmem>>
    tpu.wait_dma2 semaphore(%dma_wait3A_244 : memref<!tpu.dma_semaphore, #tpu.memory_space<semaphore_mem>>) src(%dma_wait3A_251 : memref<16x128xi32, #tpu.memory_space<vmem>>) dst(%dma_wait3A_247 : memref<16x128xi32, #tpu.memory_space<any>>)
    %reshape3A_252 = vector.shape_cast %broadcast_in_dim3A_229 : vector<2048x1xi32> to vector<16x128xi32>
    %swap3A_253 = arith.constant 1 : index
    %swap3A_254 = arith.constant 0 : index
    %swap3A_255 = arith.constant 0 : index
    %swap3A_256 = vector.load %arg4[%swap3A_253, %swap3A_254, %swap3A_255] : memref<2x16x128xi32, #tpu.memory_space<vmem>>, vector<1x16x128xi32>
    %swap3A_257 = vector.shape_cast %swap3A_256 : vector<1x16x128xi32> to vector<16x128xi32>
    %swap3A_258 = vector.shape_cast %reshape3A_252 : vector<16x128xi32> to vector<1x16x128xi32>
    tpu.vector_store %arg4[%swap3A_253, %swap3A_254, %swap3A_255], %swap3A_258 {strides = array<i32>} : memref<2x16x128xi32, #tpu.memory_space<vmem>>, vector<1x16x128xi32>,
    %dma_start3A_259 = arith.constant 1 : i32
    %dma_start3A_260 = arith.constant 1 : i32
    %dma_start3A_261 = tpu.memref_slice %arg6[%dma_start3A_260] : memref<2x!tpu.dma_semaphore, #tpu.memory_space<semaphore_mem>> -> memref<1x!tpu.dma_semaphore, #tpu.memory_space<semaphore_mem>>
    %dma_start3A_262 = tpu.memref_squeeze %dma_start3A_261 : memref<1x!tpu.dma_semaphore, #tpu.memory_space<semaphore_mem>> -> memref<!tpu.dma_semaphore, #tpu.memory_space<semaphore_mem>>
    %dma_start3A_263 = arith.constant 48 : i32
    %dma_start3A_264 = arith.constant 0 : i32
    %dma_start3A_265 = tpu.memref_slice %arg2[%dma_start3A_263, %dma_start3A_264] : memref<128x128xi32, #tpu.memory_space<any>> -> memref<16x128xi32, #tpu.memory_space<any>>
    %dma_start3A_266 = arith.constant 0 : i32
    %dma_start3A_267 = arith.constant 0 : i32
    %dma_start3A_268 = tpu.memref_slice %arg4[%dma_start3A_259, %dma_start3A_266, %dma_start3A_267] : memref<2x16x128xi32, #tpu.memory_space<vmem>> -> memref<1x16x128xi32, #tpu.memory_space<vmem>>
    %dma_start3A_269 = tpu.memref_squeeze %dma_start3A_268 : memref<1x16x128xi32, #tpu.memory_space<vmem>> -> memref<16x128xi32, #tpu.memory_space<vmem>>
    tpu.enqueue_dma source(%dma_start3A_269 : memref<16x128xi32, #tpu.memory_space<vmem>>) target(%dma_start3A_265 : memref<16x128xi32, #tpu.memory_space<any>>) target_semaphore(%dma_start3A_262 : memref<!tpu.dma_semaphore, #tpu.memory_space<semaphore_mem>>)
    %dma_wait3A_270 = arith.constant 0 : i32
    %dma_wait3A_271 = arith.constant 0 : i32
    %dma_wait3A_272 = tpu.memref_slice %arg5[%dma_wait3A_271] : memref<2x!tpu.dma_semaphore, #tpu.memory_space<semaphore_mem>> -> memref<1x!tpu.dma_semaphore, #tpu.memory_space<semaphore_mem>>
    %dma_wait3A_273 = tpu.memref_squeeze %dma_wait3A_272 : memref<1x!tpu.dma_semaphore, #tpu.memory_space<semaphore_mem>> -> memref<!tpu.dma_semaphore, #tpu.memory_space<semaphore_mem>>
    %dma_wait3A_274 = arith.constant 0 : i32
    %dma_wait3A_275 = arith.constant 0 : i32
    %dma_wait3A_276 = tpu.memref_slice %arg3[%dma_wait3A_270, %dma_wait3A_274, %dma_wait3A_275] : memref<2x2048x1153xf32, #tpu.memory_space<vmem>> -> memref<1x2048x1153xf32, #tpu.memory_space<vmem>>
    %dma_wait3A_277 = tpu.memref_squeeze %dma_wait3A_276 : memref<1x2048x1153xf32, #tpu.memory_space<vmem>> -> memref<2048x1153xf32, #tpu.memory_space<vmem>>
    %dma_wait3A_278 = arith.constant 0 : i32
    %dma_wait3A_279 = arith.constant 0 : i32
    %dma_wait3A_280 = tpu.memref_slice %arg0[%dma_wait3A_278, %dma_wait3A_279] : memref<16384x1153xf32, #tpu.memory_space<any>> -> memref<2048x1153xf32, #tpu.memory_space<any>>
    tpu.wait_dma2 semaphore(%dma_wait3A_273 : memref<!tpu.dma_semaphore, #tpu.memory_space<semaphore_mem>>) src(%dma_wait3A_280 : memref<2048x1153xf32, #tpu.memory_space<any>>) dst(%dma_wait3A_277 : memref<2048x1153xf32, #tpu.memory_space<vmem>>)
    %get3A_281 = arith.constant 0 : index
    %get3A_282 = arith.constant 0 : index
    %get3A_283 = arith.constant 0 : index
    %get3A_284 = vector.load %arg3[%get3A_281, %get3A_282, %get3A_283] : memref<2x2048x1153xf32, #tpu.memory_space<vmem>>, vector<1x2048x1153xf32>
    %get3A_285 = vector.shape_cast %get3A_284 : vector<1x2048x1153xf32> to vector<2048x1153xf32>
    %dot_general3A_286 = arith.constant dense<0.000000e+00> : vector<2048x16xf32>
    %dot_general3A_287 = tpu.matmul %get3A_285, %get3A_1, %dot_general3A_286 {dimension_numbers = #tpu.dot_dimension_numbers<[1], [0], [0], [1], [0, 0, 1, 1], [], []>, transpose_lhs_hint = false} : vector<2048x1153xf32>, vector<1153x16xf32>, vector<2048x16xf32> -> vector<2048x16xf32>
    %reduce_max3A_288 = arith.constant dense<0xFF800000> : vector<2048xf32>
    %reduce_max3A_289 = vector.multi_reduction <maximumf>, %dot_general3A_287, %reduce_max3A_288 [1] : vector<2048x16xf32> to vector<2048xf32>
    %broadcast_in_dim3A_290 = vector.shape_cast %reduce_max3A_289 : vector<2048xf32> to vector<2048x1xf32>
    %iota3A_291 = tpu.iota {dimensions = array<i32: 1>} : vector<2048x16xi32>
    %ge3A_292 = vector.broadcast %broadcast_in_dim3A_290 : vector<2048x1xf32> to vector<2048x16xf32>
    %ge3A_293 = arith.cmpf oge, %dot_general3A_287, %ge3A_292 : vector<2048x16xf32>
    %jit3A_294 = arith.constant 16 : i32
    %broadcast_in_dim3A_295 = vector.broadcast %jit3A_294 : i32 to vector<2048x16xi32>
    %select_n3A_296 = arith.select %ge3A_293, %iota3A_291, %broadcast_in_dim3A_295 : vector<2048x16xi1>, vector<2048x16xi32>
    %reduce_min3A_297 = arith.constant dense<2147483647> : vector<2048xi32>
    %reduce_min3A_298 = vector.multi_reduction <minsi>, %select_n3A_296, %reduce_min3A_297 [1] : vector<2048x16xi32> to vector<2048xi32>
    %broadcast_in_dim3A_299 = vector.shape_cast %reduce_min3A_298 : vector<2048xi32> to vector<2048x1xi32>
    %dma_start3A_300 = arith.constant 0 : i32
    %dma_start3A_301 = arith.constant 0 : i32
    %dma_start3A_302 = tpu.memref_slice %arg5[%dma_start3A_301] : memref<2x!tpu.dma_semaphore, #tpu.memory_space<semaphore_mem>> -> memref<1x!tpu.dma_semaphore, #tpu.memory_space<semaphore_mem>>
    %dma_start3A_303 = tpu.memref_squeeze %dma_start3A_302 : memref<1x!tpu.dma_semaphore, #tpu.memory_space<semaphore_mem>> -> memref<!tpu.dma_semaphore, #tpu.memory_space<semaphore_mem>>
    %dma_start3A_304 = arith.constant 0 : i32
    %dma_start3A_305 = arith.constant 0 : i32
    %dma_start3A_306 = tpu.memref_slice %arg3[%dma_start3A_300, %dma_start3A_304, %dma_start3A_305] : memref<2x2048x1153xf32, #tpu.memory_space<vmem>> -> memref<1x2048x1153xf32, #tpu.memory_space<vmem>>
    %dma_start3A_307 = tpu.memref_squeeze %dma_start3A_306 : memref<1x2048x1153xf32, #tpu.memory_space<vmem>> -> memref<2048x1153xf32, #tpu.memory_space<vmem>>
    %dma_start3A_308 = arith.constant 12288 : i32
    %dma_start3A_309 = arith.constant 0 : i32
    %dma_start3A_310 = tpu.memref_slice %arg0[%dma_start3A_308, %dma_start3A_309] : memref<16384x1153xf32, #tpu.memory_space<any>> -> memref<2048x1153xf32, #tpu.memory_space<any>>
    tpu.enqueue_dma source(%dma_start3A_310 : memref<2048x1153xf32, #tpu.memory_space<any>>) target(%dma_start3A_307 : memref<2048x1153xf32, #tpu.memory_space<vmem>>) target_semaphore(%dma_start3A_303 : memref<!tpu.dma_semaphore, #tpu.memory_space<semaphore_mem>>)
    %dma_wait3A_311 = arith.constant 0 : i32
    %dma_wait3A_312 = arith.constant 0 : i32
    %dma_wait3A_313 = tpu.memref_slice %arg6[%dma_wait3A_312] : memref<2x!tpu.dma_semaphore, #tpu.memory_space<semaphore_mem>> -> memref<1x!tpu.dma_semaphore, #tpu.memory_space<semaphore_mem>>
    %dma_wait3A_314 = tpu.memref_squeeze %dma_wait3A_313 : memref<1x!tpu.dma_semaphore, #tpu.memory_space<semaphore_mem>> -> memref<!tpu.dma_semaphore, #tpu.memory_space<semaphore_mem>>
    %dma_wait3A_315 = arith.constant 0 : i32
    %dma_wait3A_316 = arith.constant 0 : i32
    %dma_wait3A_317 = tpu.memref_slice %arg2[%dma_wait3A_315, %dma_wait3A_316] : memref<128x128xi32, #tpu.memory_space<any>> -> memref<16x128xi32, #tpu.memory_space<any>>
    %dma_wait3A_318 = arith.constant 0 : i32
    %dma_wait3A_319 = arith.constant 0 : i32
    %dma_wait3A_320 = tpu.memref_slice %arg4[%dma_wait3A_311, %dma_wait3A_318, %dma_wait3A_319] : memref<2x16x128xi32, #tpu.memory_space<vmem>> -> memref<1x16x128xi32, #tpu.memory_space<vmem>>
    %dma_wait3A_321 = tpu.memref_squeeze %dma_wait3A_320 : memref<1x16x128xi32, #tpu.memory_space<vmem>> -> memref<16x128xi32, #tpu.memory_space<vmem>>
    tpu.wait_dma2 semaphore(%dma_wait3A_314 : memref<!tpu.dma_semaphore, #tpu.memory_space<semaphore_mem>>) src(%dma_wait3A_321 : memref<16x128xi32, #tpu.memory_space<vmem>>) dst(%dma_wait3A_317 : memref<16x128xi32, #tpu.memory_space<any>>)
    %reshape3A_322 = vector.shape_cast %broadcast_in_dim3A_299 : vector<2048x1xi32> to vector<16x128xi32>
    %swap3A_323 = arith.constant 0 : index
    %swap3A_324 = arith.constant 0 : index
    %swap3A_325 = arith.constant 0 : index
    %swap3A_326 = vector.load %arg4[%swap3A_323, %swap3A_324, %swap3A_325] : memref<2x16x128xi32, #tpu.memory_space<vmem>>, vector<1x16x128xi32>
    %swap3A_327 = vector.shape_cast %swap3A_326 : vector<1x16x128xi32> to vector<16x128xi32>
    %swap3A_328 = vector.shape_cast %reshape3A_322 : vector<16x128xi32> to vector<1x16x128xi32>
    tpu.vector_store %arg4[%swap3A_323, %swap3A_324, %swap3A_325], %swap3A_328 {strides = array<i32>} : memref<2x16x128xi32, #tpu.memory_space<vmem>>, vector<1x16x128xi32>,
    %dma_start3A_329 = arith.constant 0 : i32
    %dma_start3A_330 = arith.constant 0 : i32
    %dma_start3A_331 = tpu.memref_slice %arg6[%dma_start3A_330] : memref<2x!tpu.dma_semaphore, #tpu.memory_space<semaphore_mem>> -> memref<1x!tpu.dma_semaphore, #tpu.memory_space<semaphore_mem>>
    %dma_start3A_332 = tpu.memref_squeeze %dma_start3A_331 : memref<1x!tpu.dma_semaphore, #tpu.memory_space<semaphore_mem>> -> memref<!tpu.dma_semaphore, #tpu.memory_space<semaphore_mem>>
    %dma_start3A_333 = arith.constant 64 : i32
    %dma_start3A_334 = arith.constant 0 : i32
    %dma_start3A_335 = tpu.memref_slice %arg2[%dma_start3A_333, %dma_start3A_334] : memref<128x128xi32, #tpu.memory_space<any>> -> memref<16x128xi32, #tpu.memory_space<any>>
    %dma_start3A_336 = arith.constant 0 : i32
    %dma_start3A_337 = arith.constant 0 : i32
    %dma_start3A_338 = tpu.memref_slice %arg4[%dma_start3A_329, %dma_start3A_336, %dma_start3A_337] : memref<2x16x128xi32, #tpu.memory_space<vmem>> -> memref<1x16x128xi32, #tpu.memory_space<vmem>>
    %dma_start3A_339 = tpu.memref_squeeze %dma_start3A_338 : memref<1x16x128xi32, #tpu.memory_space<vmem>> -> memref<16x128xi32, #tpu.memory_space<vmem>>
    tpu.enqueue_dma source(%dma_start3A_339 : memref<16x128xi32, #tpu.memory_space<vmem>>) target(%dma_start3A_335 : memref<16x128xi32, #tpu.memory_space<any>>) target_semaphore(%dma_start3A_332 : memref<!tpu.dma_semaphore, #tpu.memory_space<semaphore_mem>>)
    %dma_wait3A_340 = arith.constant 1 : i32
    %dma_wait3A_341 = arith.constant 1 : i32
    %dma_wait3A_342 = tpu.memref_slice %arg5[%dma_wait3A_341] : memref<2x!tpu.dma_semaphore, #tpu.memory_space<semaphore_mem>> -> memref<1x!tpu.dma_semaphore, #tpu.memory_space<semaphore_mem>>
    %dma_wait3A_343 = tpu.memref_squeeze %dma_wait3A_342 : memref<1x!tpu.dma_semaphore, #tpu.memory_space<semaphore_mem>> -> memref<!tpu.dma_semaphore, #tpu.memory_space<semaphore_mem>>
    %dma_wait3A_344 = arith.constant 0 : i32
    %dma_wait3A_345 = arith.constant 0 : i32
    %dma_wait3A_346 = tpu.memref_slice %arg3[%dma_wait3A_340, %dma_wait3A_344, %dma_wait3A_345] : memref<2x2048x1153xf32, #tpu.memory_space<vmem>> -> memref<1x2048x1153xf32, #tpu.memory_space<vmem>>
    %dma_wait3A_347 = tpu.memref_squeeze %dma_wait3A_346 : memref<1x2048x1153xf32, #tpu.memory_space<vmem>> -> memref<2048x1153xf32, #tpu.memory_space<vmem>>
    %dma_wait3A_348 = arith.constant 0 : i32
    %dma_wait3A_349 = arith.constant 0 : i32
    %dma_wait3A_350 = tpu.memref_slice %arg0[%dma_wait3A_348, %dma_wait3A_349] : memref<16384x1153xf32, #tpu.memory_space<any>> -> memref<2048x1153xf32, #tpu.memory_space<any>>
    tpu.wait_dma2 semaphore(%dma_wait3A_343 : memref<!tpu.dma_semaphore, #tpu.memory_space<semaphore_mem>>) src(%dma_wait3A_350 : memref<2048x1153xf32, #tpu.memory_space<any>>) dst(%dma_wait3A_347 : memref<2048x1153xf32, #tpu.memory_space<vmem>>)
    %get3A_351 = arith.constant 1 : index
    %get3A_352 = arith.constant 0 : index
    %get3A_353 = arith.constant 0 : index
    %get3A_354 = vector.load %arg3[%get3A_351, %get3A_352, %get3A_353] : memref<2x2048x1153xf32, #tpu.memory_space<vmem>>, vector<1x2048x1153xf32>
    %get3A_355 = vector.shape_cast %get3A_354 : vector<1x2048x1153xf32> to vector<2048x1153xf32>
    %dot_general3A_356 = arith.constant dense<0.000000e+00> : vector<2048x16xf32>
    %dot_general3A_357 = tpu.matmul %get3A_355, %get3A_1, %dot_general3A_356 {dimension_numbers = #tpu.dot_dimension_numbers<[1], [0], [0], [1], [0, 0, 1, 1], [], []>, transpose_lhs_hint = false} : vector<2048x1153xf32>, vector<1153x16xf32>, vector<2048x16xf32> -> vector<2048x16xf32>
    %reduce_max3A_358 = arith.constant dense<0xFF800000> : vector<2048xf32>
    %reduce_max3A_359 = vector.multi_reduction <maximumf>, %dot_general3A_357, %reduce_max3A_358 [1] : vector<2048x16xf32> to vector<2048xf32>
    %broadcast_in_dim3A_360 = vector.shape_cast %reduce_max3A_359 : vector<2048xf32> to vector<2048x1xf32>
    %iota3A_361 = tpu.iota {dimensions = array<i32: 1>} : vector<2048x16xi32>
    %ge3A_362 = vector.broadcast %broadcast_in_dim3A_360 : vector<2048x1xf32> to vector<2048x16xf32>
    %ge3A_363 = arith.cmpf oge, %dot_general3A_357, %ge3A_362 : vector<2048x16xf32>
    %jit3A_364 = arith.constant 16 : i32
    %broadcast_in_dim3A_365 = vector.broadcast %jit3A_364 : i32 to vector<2048x16xi32>
    %select_n3A_366 = arith.select %ge3A_363, %iota3A_361, %broadcast_in_dim3A_365 : vector<2048x16xi1>, vector<2048x16xi32>
    %reduce_min3A_367 = arith.constant dense<2147483647> : vector<2048xi32>
    %reduce_min3A_368 = vector.multi_reduction <minsi>, %select_n3A_366, %reduce_min3A_367 [1] : vector<2048x16xi32> to vector<2048xi32>
    %broadcast_in_dim3A_369 = vector.shape_cast %reduce_min3A_368 : vector<2048xi32> to vector<2048x1xi32>
    %dma_start3A_370 = arith.constant 1 : i32
    %dma_start3A_371 = arith.constant 1 : i32
    %dma_start3A_372 = tpu.memref_slice %arg5[%dma_start3A_371] : memref<2x!tpu.dma_semaphore, #tpu.memory_space<semaphore_mem>> -> memref<1x!tpu.dma_semaphore, #tpu.memory_space<semaphore_mem>>
    %dma_start3A_373 = tpu.memref_squeeze %dma_start3A_372 : memref<1x!tpu.dma_semaphore, #tpu.memory_space<semaphore_mem>> -> memref<!tpu.dma_semaphore, #tpu.memory_space<semaphore_mem>>
    %dma_start3A_374 = arith.constant 0 : i32
    %dma_start3A_375 = arith.constant 0 : i32
    %dma_start3A_376 = tpu.memref_slice %arg3[%dma_start3A_370, %dma_start3A_374, %dma_start3A_375] : memref<2x2048x1153xf32, #tpu.memory_space<vmem>> -> memref<1x2048x1153xf32, #tpu.memory_space<vmem>>
    %dma_start3A_377 = tpu.memref_squeeze %dma_start3A_376 : memref<1x2048x1153xf32, #tpu.memory_space<vmem>> -> memref<2048x1153xf32, #tpu.memory_space<vmem>>
    %dma_start3A_378 = arith.constant 14336 : i32
    %dma_start3A_379 = arith.constant 0 : i32
    %dma_start3A_380 = tpu.memref_slice %arg0[%dma_start3A_378, %dma_start3A_379] : memref<16384x1153xf32, #tpu.memory_space<any>> -> memref<2048x1153xf32, #tpu.memory_space<any>>
    tpu.enqueue_dma source(%dma_start3A_380 : memref<2048x1153xf32, #tpu.memory_space<any>>) target(%dma_start3A_377 : memref<2048x1153xf32, #tpu.memory_space<vmem>>) target_semaphore(%dma_start3A_373 : memref<!tpu.dma_semaphore, #tpu.memory_space<semaphore_mem>>)
    %dma_wait3A_381 = arith.constant 1 : i32
    %dma_wait3A_382 = arith.constant 1 : i32
    %dma_wait3A_383 = tpu.memref_slice %arg6[%dma_wait3A_382] : memref<2x!tpu.dma_semaphore, #tpu.memory_space<semaphore_mem>> -> memref<1x!tpu.dma_semaphore, #tpu.memory_space<semaphore_mem>>
    %dma_wait3A_384 = tpu.memref_squeeze %dma_wait3A_383 : memref<1x!tpu.dma_semaphore, #tpu.memory_space<semaphore_mem>> -> memref<!tpu.dma_semaphore, #tpu.memory_space<semaphore_mem>>
    %dma_wait3A_385 = arith.constant 0 : i32
    %dma_wait3A_386 = arith.constant 0 : i32
    %dma_wait3A_387 = tpu.memref_slice %arg2[%dma_wait3A_385, %dma_wait3A_386] : memref<128x128xi32, #tpu.memory_space<any>> -> memref<16x128xi32, #tpu.memory_space<any>>
    %dma_wait3A_388 = arith.constant 0 : i32
    %dma_wait3A_389 = arith.constant 0 : i32
    %dma_wait3A_390 = tpu.memref_slice %arg4[%dma_wait3A_381, %dma_wait3A_388, %dma_wait3A_389] : memref<2x16x128xi32, #tpu.memory_space<vmem>> -> memref<1x16x128xi32, #tpu.memory_space<vmem>>
    %dma_wait3A_391 = tpu.memref_squeeze %dma_wait3A_390 : memref<1x16x128xi32, #tpu.memory_space<vmem>> -> memref<16x128xi32, #tpu.memory_space<vmem>>
    tpu.wait_dma2 semaphore(%dma_wait3A_384 : memref<!tpu.dma_semaphore, #tpu.memory_space<semaphore_mem>>) src(%dma_wait3A_391 : memref<16x128xi32, #tpu.memory_space<vmem>>) dst(%dma_wait3A_387 : memref<16x128xi32, #tpu.memory_space<any>>)
    %reshape3A_392 = vector.shape_cast %broadcast_in_dim3A_369 : vector<2048x1xi32> to vector<16x128xi32>
    %swap3A_393 = arith.constant 1 : index
    %swap3A_394 = arith.constant 0 : index
    %swap3A_395 = arith.constant 0 : index
    %swap3A_396 = vector.load %arg4[%swap3A_393, %swap3A_394, %swap3A_395] : memref<2x16x128xi32, #tpu.memory_space<vmem>>, vector<1x16x128xi32>
    %swap3A_397 = vector.shape_cast %swap3A_396 : vector<1x16x128xi32> to vector<16x128xi32>
    %swap3A_398 = vector.shape_cast %reshape3A_392 : vector<16x128xi32> to vector<1x16x128xi32>
    tpu.vector_store %arg4[%swap3A_393, %swap3A_394, %swap3A_395], %swap3A_398 {strides = array<i32>} : memref<2x16x128xi32, #tpu.memory_space<vmem>>, vector<1x16x128xi32>,
    %dma_start3A_399 = arith.constant 1 : i32
    %dma_start3A_400 = arith.constant 1 : i32
    %dma_start3A_401 = tpu.memref_slice %arg6[%dma_start3A_400] : memref<2x!tpu.dma_semaphore, #tpu.memory_space<semaphore_mem>> -> memref<1x!tpu.dma_semaphore, #tpu.memory_space<semaphore_mem>>
    %dma_start3A_402 = tpu.memref_squeeze %dma_start3A_401 : memref<1x!tpu.dma_semaphore, #tpu.memory_space<semaphore_mem>> -> memref<!tpu.dma_semaphore, #tpu.memory_space<semaphore_mem>>
    %dma_start3A_403 = arith.constant 80 : i32
    %dma_start3A_404 = arith.constant 0 : i32
    %dma_start3A_405 = tpu.memref_slice %arg2[%dma_start3A_403, %dma_start3A_404] : memref<128x128xi32, #tpu.memory_space<any>> -> memref<16x128xi32, #tpu.memory_space<any>>
    %dma_start3A_406 = arith.constant 0 : i32
    %dma_start3A_407 = arith.constant 0 : i32
    %dma_start3A_408 = tpu.memref_slice %arg4[%dma_start3A_399, %dma_start3A_406, %dma_start3A_407] : memref<2x16x128xi32, #tpu.memory_space<vmem>> -> memref<1x16x128xi32, #tpu.memory_space<vmem>>
    %dma_start3A_409 = tpu.memref_squeeze %dma_start3A_408 : memref<1x16x128xi32, #tpu.memory_space<vmem>> -> memref<16x128xi32, #tpu.memory_space<vmem>>
    tpu.enqueue_dma source(%dma_start3A_409 : memref<16x128xi32, #tpu.memory_space<vmem>>) target(%dma_start3A_405 : memref<16x128xi32, #tpu.memory_space<any>>) target_semaphore(%dma_start3A_402 : memref<!tpu.dma_semaphore, #tpu.memory_space<semaphore_mem>>)
    %dma_wait3A_410 = arith.constant 0 : i32
    %dma_wait3A_411 = arith.constant 0 : i32
    %dma_wait3A_412 = tpu.memref_slice %arg5[%dma_wait3A_411] : memref<2x!tpu.dma_semaphore, #tpu.memory_space<semaphore_mem>> -> memref<1x!tpu.dma_semaphore, #tpu.memory_space<semaphore_mem>>
    %dma_wait3A_413 = tpu.memref_squeeze %dma_wait3A_412 : memref<1x!tpu.dma_semaphore, #tpu.memory_space<semaphore_mem>> -> memref<!tpu.dma_semaphore, #tpu.memory_space<semaphore_mem>>
    %dma_wait3A_414 = arith.constant 0 : i32
    %dma_wait3A_415 = arith.constant 0 : i32
    %dma_wait3A_416 = tpu.memref_slice %arg3[%dma_wait3A_410, %dma_wait3A_414, %dma_wait3A_415] : memref<2x2048x1153xf32, #tpu.memory_space<vmem>> -> memref<1x2048x1153xf32, #tpu.memory_space<vmem>>
    %dma_wait3A_417 = tpu.memref_squeeze %dma_wait3A_416 : memref<1x2048x1153xf32, #tpu.memory_space<vmem>> -> memref<2048x1153xf32, #tpu.memory_space<vmem>>
    %dma_wait3A_418 = arith.constant 0 : i32
    %dma_wait3A_419 = arith.constant 0 : i32
    %dma_wait3A_420 = tpu.memref_slice %arg0[%dma_wait3A_418, %dma_wait3A_419] : memref<16384x1153xf32, #tpu.memory_space<any>> -> memref<2048x1153xf32, #tpu.memory_space<any>>
    tpu.wait_dma2 semaphore(%dma_wait3A_413 : memref<!tpu.dma_semaphore, #tpu.memory_space<semaphore_mem>>) src(%dma_wait3A_420 : memref<2048x1153xf32, #tpu.memory_space<any>>) dst(%dma_wait3A_417 : memref<2048x1153xf32, #tpu.memory_space<vmem>>)
    %get3A_421 = arith.constant 0 : index
    %get3A_422 = arith.constant 0 : index
    %get3A_423 = arith.constant 0 : index
    %get3A_424 = vector.load %arg3[%get3A_421, %get3A_422, %get3A_423] : memref<2x2048x1153xf32, #tpu.memory_space<vmem>>, vector<1x2048x1153xf32>
    %get3A_425 = vector.shape_cast %get3A_424 : vector<1x2048x1153xf32> to vector<2048x1153xf32>
    %dot_general3A_426 = arith.constant dense<0.000000e+00> : vector<2048x16xf32>
    %dot_general3A_427 = tpu.matmul %get3A_425, %get3A_1, %dot_general3A_426 {dimension_numbers = #tpu.dot_dimension_numbers<[1], [0], [0], [1], [0, 0, 1, 1], [], []>, transpose_lhs_hint = false} : vector<2048x1153xf32>, vector<1153x16xf32>, vector<2048x16xf32> -> vector<2048x16xf32>
    %reduce_max3A_428 = arith.constant dense<0xFF800000> : vector<2048xf32>
    %reduce_max3A_429 = vector.multi_reduction <maximumf>, %dot_general3A_427, %reduce_max3A_428 [1] : vector<2048x16xf32> to vector<2048xf32>
    %broadcast_in_dim3A_430 = vector.shape_cast %reduce_max3A_429 : vector<2048xf32> to vector<2048x1xf32>
    %iota3A_431 = tpu.iota {dimensions = array<i32: 1>} : vector<2048x16xi32>
    %ge3A_432 = vector.broadcast %broadcast_in_dim3A_430 : vector<2048x1xf32> to vector<2048x16xf32>
    %ge3A_433 = arith.cmpf oge, %dot_general3A_427, %ge3A_432 : vector<2048x16xf32>
    %jit3A_434 = arith.constant 16 : i32
    %broadcast_in_dim3A_435 = vector.broadcast %jit3A_434 : i32 to vector<2048x16xi32>
    %select_n3A_436 = arith.select %ge3A_433, %iota3A_431, %broadcast_in_dim3A_435 : vector<2048x16xi1>, vector<2048x16xi32>
    %reduce_min3A_437 = arith.constant dense<2147483647> : vector<2048xi32>
    %reduce_min3A_438 = vector.multi_reduction <minsi>, %select_n3A_436, %reduce_min3A_437 [1] : vector<2048x16xi32> to vector<2048xi32>
    %broadcast_in_dim3A_439 = vector.shape_cast %reduce_min3A_438 : vector<2048xi32> to vector<2048x1xi32>
    %dma_wait3A_440 = arith.constant 0 : i32
    %dma_wait3A_441 = arith.constant 0 : i32
    %dma_wait3A_442 = tpu.memref_slice %arg6[%dma_wait3A_441] : memref<2x!tpu.dma_semaphore, #tpu.memory_space<semaphore_mem>> -> memref<1x!tpu.dma_semaphore, #tpu.memory_space<semaphore_mem>>
    %dma_wait3A_443 = tpu.memref_squeeze %dma_wait3A_442 : memref<1x!tpu.dma_semaphore, #tpu.memory_space<semaphore_mem>> -> memref<!tpu.dma_semaphore, #tpu.memory_space<semaphore_mem>>
    %dma_wait3A_444 = arith.constant 0 : i32
    %dma_wait3A_445 = arith.constant 0 : i32
    %dma_wait3A_446 = tpu.memref_slice %arg2[%dma_wait3A_444, %dma_wait3A_445] : memref<128x128xi32, #tpu.memory_space<any>> -> memref<16x128xi32, #tpu.memory_space<any>>
    %dma_wait3A_447 = arith.constant 0 : i32
    %dma_wait3A_448 = arith.constant 0 : i32
    %dma_wait3A_449 = tpu.memref_slice %arg4[%dma_wait3A_440, %dma_wait3A_447, %dma_wait3A_448] : memref<2x16x128xi32, #tpu.memory_space<vmem>> -> memref<1x16x128xi32, #tpu.memory_space<vmem>>
    %dma_wait3A_450 = tpu.memref_squeeze %dma_wait3A_449 : memref<1x16x128xi32, #tpu.memory_space<vmem>> -> memref<16x128xi32, #tpu.memory_space<vmem>>
    tpu.wait_dma2 semaphore(%dma_wait3A_443 : memref<!tpu.dma_semaphore, #tpu.memory_space<semaphore_mem>>) src(%dma_wait3A_450 : memref<16x128xi32, #tpu.memory_space<vmem>>) dst(%dma_wait3A_446 : memref<16x128xi32, #tpu.memory_space<any>>)
    %reshape3A_451 = vector.shape_cast %broadcast_in_dim3A_439 : vector<2048x1xi32> to vector<16x128xi32>
    %swap3A_452 = arith.constant 0 : index
    %swap3A_453 = arith.constant 0 : index
    %swap3A_454 = arith.constant 0 : index
    %swap3A_455 = vector.load %arg4[%swap3A_452, %swap3A_453, %swap3A_454] : memref<2x16x128xi32, #tpu.memory_space<vmem>>, vector<1x16x128xi32>
    %swap3A_456 = vector.shape_cast %swap3A_455 : vector<1x16x128xi32> to vector<16x128xi32>
    %swap3A_457 = vector.shape_cast %reshape3A_451 : vector<16x128xi32> to vector<1x16x128xi32>
    tpu.vector_store %arg4[%swap3A_452, %swap3A_453, %swap3A_454], %swap3A_457 {strides = array<i32>} : memref<2x16x128xi32, #tpu.memory_space<vmem>>, vector<1x16x128xi32>,
    %dma_start3A_458 = arith.constant 0 : i32
    %dma_start3A_459 = arith.constant 0 : i32
    %dma_start3A_460 = tpu.memref_slice %arg6[%dma_start3A_459] : memref<2x!tpu.dma_semaphore, #tpu.memory_space<semaphore_mem>> -> memref<1x!tpu.dma_semaphore, #tpu.memory_space<semaphore_mem>>
    %dma_start3A_461 = tpu.memref_squeeze %dma_start3A_460 : memref<1x!tpu.dma_semaphore, #tpu.memory_space<semaphore_mem>> -> memref<!tpu.dma_semaphore, #tpu.memory_space<semaphore_mem>>
    %dma_start3A_462 = arith.constant 96 : i32
    %dma_start3A_463 = arith.constant 0 : i32
    %dma_start3A_464 = tpu.memref_slice %arg2[%dma_start3A_462, %dma_start3A_463] : memref<128x128xi32, #tpu.memory_space<any>> -> memref<16x128xi32, #tpu.memory_space<any>>
    %dma_start3A_465 = arith.constant 0 : i32
    %dma_start3A_466 = arith.constant 0 : i32
    %dma_start3A_467 = tpu.memref_slice %arg4[%dma_start3A_458, %dma_start3A_465, %dma_start3A_466] : memref<2x16x128xi32, #tpu.memory_space<vmem>> -> memref<1x16x128xi32, #tpu.memory_space<vmem>>
    %dma_start3A_468 = tpu.memref_squeeze %dma_start3A_467 : memref<1x16x128xi32, #tpu.memory_space<vmem>> -> memref<16x128xi32, #tpu.memory_space<vmem>>
    tpu.enqueue_dma source(%dma_start3A_468 : memref<16x128xi32, #tpu.memory_space<vmem>>) target(%dma_start3A_464 : memref<16x128xi32, #tpu.memory_space<any>>) target_semaphore(%dma_start3A_461 : memref<!tpu.dma_semaphore, #tpu.memory_space<semaphore_mem>>)
    %dma_wait3A_469 = arith.constant 1 : i32
    %dma_wait3A_470 = arith.constant 1 : i32
    %dma_wait3A_471 = tpu.memref_slice %arg5[%dma_wait3A_470] : memref<2x!tpu.dma_semaphore, #tpu.memory_space<semaphore_mem>> -> memref<1x!tpu.dma_semaphore, #tpu.memory_space<semaphore_mem>>
    %dma_wait3A_472 = tpu.memref_squeeze %dma_wait3A_471 : memref<1x!tpu.dma_semaphore, #tpu.memory_space<semaphore_mem>> -> memref<!tpu.dma_semaphore, #tpu.memory_space<semaphore_mem>>
    %dma_wait3A_473 = arith.constant 0 : i32
    %dma_wait3A_474 = arith.constant 0 : i32
    %dma_wait3A_475 = tpu.memref_slice %arg3[%dma_wait3A_469, %dma_wait3A_473, %dma_wait3A_474] : memref<2x2048x1153xf32, #tpu.memory_space<vmem>> -> memref<1x2048x1153xf32, #tpu.memory_space<vmem>>
    %dma_wait3A_476 = tpu.memref_squeeze %dma_wait3A_475 : memref<1x2048x1153xf32, #tpu.memory_space<vmem>> -> memref<2048x1153xf32, #tpu.memory_space<vmem>>
    %dma_wait3A_477 = arith.constant 0 : i32
    %dma_wait3A_478 = arith.constant 0 : i32
    %dma_wait3A_479 = tpu.memref_slice %arg0[%dma_wait3A_477, %dma_wait3A_478] : memref<16384x1153xf32, #tpu.memory_space<any>> -> memref<2048x1153xf32, #tpu.memory_space<any>>
    tpu.wait_dma2 semaphore(%dma_wait3A_472 : memref<!tpu.dma_semaphore, #tpu.memory_space<semaphore_mem>>) src(%dma_wait3A_479 : memref<2048x1153xf32, #tpu.memory_space<any>>) dst(%dma_wait3A_476 : memref<2048x1153xf32, #tpu.memory_space<vmem>>)
    %get3A_480 = arith.constant 1 : index
    %get3A_481 = arith.constant 0 : index
    %get3A_482 = arith.constant 0 : index
    %get3A_483 = vector.load %arg3[%get3A_480, %get3A_481, %get3A_482] : memref<2x2048x1153xf32, #tpu.memory_space<vmem>>, vector<1x2048x1153xf32>
    %get3A_484 = vector.shape_cast %get3A_483 : vector<1x2048x1153xf32> to vector<2048x1153xf32>
    %dot_general3A_485 = arith.constant dense<0.000000e+00> : vector<2048x16xf32>
    %dot_general3A_486 = tpu.matmul %get3A_484, %get3A_1, %dot_general3A_485 {dimension_numbers = #tpu.dot_dimension_numbers<[1], [0], [0], [1], [0, 0, 1, 1], [], []>, transpose_lhs_hint = false} : vector<2048x1153xf32>, vector<1153x16xf32>, vector<2048x16xf32> -> vector<2048x16xf32>
    %reduce_max3A_487 = arith.constant dense<0xFF800000> : vector<2048xf32>
    %reduce_max3A_488 = vector.multi_reduction <maximumf>, %dot_general3A_486, %reduce_max3A_487 [1] : vector<2048x16xf32> to vector<2048xf32>
    %broadcast_in_dim3A_489 = vector.shape_cast %reduce_max3A_488 : vector<2048xf32> to vector<2048x1xf32>
    %iota3A_490 = tpu.iota {dimensions = array<i32: 1>} : vector<2048x16xi32>
    %ge3A_491 = vector.broadcast %broadcast_in_dim3A_489 : vector<2048x1xf32> to vector<2048x16xf32>
    %ge3A_492 = arith.cmpf oge, %dot_general3A_486, %ge3A_491 : vector<2048x16xf32>
    %jit3A_493 = arith.constant 16 : i32
    %broadcast_in_dim3A_494 = vector.broadcast %jit3A_493 : i32 to vector<2048x16xi32>
    %select_n3A_495 = arith.select %ge3A_492, %iota3A_490, %broadcast_in_dim3A_494 : vector<2048x16xi1>, vector<2048x16xi32>
    %reduce_min3A_496 = arith.constant dense<2147483647> : vector<2048xi32>
    %reduce_min3A_497 = vector.multi_reduction <minsi>, %select_n3A_495, %reduce_min3A_496 [1] : vector<2048x16xi32> to vector<2048xi32>
    %broadcast_in_dim3A_498 = vector.shape_cast %reduce_min3A_497 : vector<2048xi32> to vector<2048x1xi32>
    %dma_wait3A_499 = arith.constant 1 : i32
    %dma_wait3A_500 = arith.constant 1 : i32
    %dma_wait3A_501 = tpu.memref_slice %arg6[%dma_wait3A_500] : memref<2x!tpu.dma_semaphore, #tpu.memory_space<semaphore_mem>> -> memref<1x!tpu.dma_semaphore, #tpu.memory_space<semaphore_mem>>
    %dma_wait3A_502 = tpu.memref_squeeze %dma_wait3A_501 : memref<1x!tpu.dma_semaphore, #tpu.memory_space<semaphore_mem>> -> memref<!tpu.dma_semaphore, #tpu.memory_space<semaphore_mem>>
    %dma_wait3A_503 = arith.constant 0 : i32
    %dma_wait3A_504 = arith.constant 0 : i32
    %dma_wait3A_505 = tpu.memref_slice %arg2[%dma_wait3A_503, %dma_wait3A_504] : memref<128x128xi32, #tpu.memory_space<any>> -> memref<16x128xi32, #tpu.memory_space<any>>
    %dma_wait3A_506 = arith.constant 0 : i32
    %dma_wait3A_507 = arith.constant 0 : i32
    %dma_wait3A_508 = tpu.memref_slice %arg4[%dma_wait3A_499, %dma_wait3A_506, %dma_wait3A_507] : memref<2x16x128xi32, #tpu.memory_space<vmem>> -> memref<1x16x128xi32, #tpu.memory_space<vmem>>
    %dma_wait3A_509 = tpu.memref_squeeze %dma_wait3A_508 : memref<1x16x128xi32, #tpu.memory_space<vmem>> -> memref<16x128xi32, #tpu.memory_space<vmem>>
    tpu.wait_dma2 semaphore(%dma_wait3A_502 : memref<!tpu.dma_semaphore, #tpu.memory_space<semaphore_mem>>) src(%dma_wait3A_509 : memref<16x128xi32, #tpu.memory_space<vmem>>) dst(%dma_wait3A_505 : memref<16x128xi32, #tpu.memory_space<any>>)
    %reshape3A_510 = vector.shape_cast %broadcast_in_dim3A_498 : vector<2048x1xi32> to vector<16x128xi32>
    %swap3A_511 = arith.constant 1 : index
    %swap3A_512 = arith.constant 0 : index
    %swap3A_513 = arith.constant 0 : index
    %swap3A_514 = vector.load %arg4[%swap3A_511, %swap3A_512, %swap3A_513] : memref<2x16x128xi32, #tpu.memory_space<vmem>>, vector<1x16x128xi32>
    %swap3A_515 = vector.shape_cast %swap3A_514 : vector<1x16x128xi32> to vector<16x128xi32>
    %swap3A_516 = vector.shape_cast %reshape3A_510 : vector<16x128xi32> to vector<1x16x128xi32>
    tpu.vector_store %arg4[%swap3A_511, %swap3A_512, %swap3A_513], %swap3A_516 {strides = array<i32>} : memref<2x16x128xi32, #tpu.memory_space<vmem>>, vector<1x16x128xi32>,
    %dma_start3A_517 = arith.constant 1 : i32
    %dma_start3A_518 = arith.constant 1 : i32
    %dma_start3A_519 = tpu.memref_slice %arg6[%dma_start3A_518] : memref<2x!tpu.dma_semaphore, #tpu.memory_space<semaphore_mem>> -> memref<1x!tpu.dma_semaphore, #tpu.memory_space<semaphore_mem>>
    %dma_start3A_520 = tpu.memref_squeeze %dma_start3A_519 : memref<1x!tpu.dma_semaphore, #tpu.memory_space<semaphore_mem>> -> memref<!tpu.dma_semaphore, #tpu.memory_space<semaphore_mem>>
    %dma_start3A_521 = arith.constant 112 : i32
    %dma_start3A_522 = arith.constant 0 : i32
    %dma_start3A_523 = tpu.memref_slice %arg2[%dma_start3A_521, %dma_start3A_522] : memref<128x128xi32, #tpu.memory_space<any>> -> memref<16x128xi32, #tpu.memory_space<any>>
    %dma_start3A_524 = arith.constant 0 : i32
    %dma_start3A_525 = arith.constant 0 : i32
    %dma_start3A_526 = tpu.memref_slice %arg4[%dma_start3A_517, %dma_start3A_524, %dma_start3A_525] : memref<2x16x128xi32, #tpu.memory_space<vmem>> -> memref<1x16x128xi32, #tpu.memory_space<vmem>>
    %dma_start3A_527 = tpu.memref_squeeze %dma_start3A_526 : memref<1x16x128xi32, #tpu.memory_space<vmem>> -> memref<16x128xi32, #tpu.memory_space<vmem>>
    tpu.enqueue_dma source(%dma_start3A_527 : memref<16x128xi32, #tpu.memory_space<vmem>>) target(%dma_start3A_523 : memref<16x128xi32, #tpu.memory_space<any>>) target_semaphore(%dma_start3A_520 : memref<!tpu.dma_semaphore, #tpu.memory_space<semaphore_mem>>)
    %dma_wait3A_528 = arith.constant 0 : i32
    %dma_wait3A_529 = arith.constant 0 : i32
    %dma_wait3A_530 = tpu.memref_slice %arg6[%dma_wait3A_529] : memref<2x!tpu.dma_semaphore, #tpu.memory_space<semaphore_mem>> -> memref<1x!tpu.dma_semaphore, #tpu.memory_space<semaphore_mem>>
    %dma_wait3A_531 = tpu.memref_squeeze %dma_wait3A_530 : memref<1x!tpu.dma_semaphore, #tpu.memory_space<semaphore_mem>> -> memref<!tpu.dma_semaphore, #tpu.memory_space<semaphore_mem>>
    %dma_wait3A_532 = arith.constant 0 : i32
    %dma_wait3A_533 = arith.constant 0 : i32
    %dma_wait3A_534 = tpu.memref_slice %arg2[%dma_wait3A_532, %dma_wait3A_533] : memref<128x128xi32, #tpu.memory_space<any>> -> memref<16x128xi32, #tpu.memory_space<any>>
    %dma_wait3A_535 = arith.constant 0 : i32
    %dma_wait3A_536 = arith.constant 0 : i32
    %dma_wait3A_537 = tpu.memref_slice %arg4[%dma_wait3A_528, %dma_wait3A_535, %dma_wait3A_536] : memref<2x16x128xi32, #tpu.memory_space<vmem>> -> memref<1x16x128xi32, #tpu.memory_space<vmem>>
    %dma_wait3A_538 = tpu.memref_squeeze %dma_wait3A_537 : memref<1x16x128xi32, #tpu.memory_space<vmem>> -> memref<16x128xi32, #tpu.memory_space<vmem>>
    tpu.wait_dma2 semaphore(%dma_wait3A_531 : memref<!tpu.dma_semaphore, #tpu.memory_space<semaphore_mem>>) src(%dma_wait3A_538 : memref<16x128xi32, #tpu.memory_space<vmem>>) dst(%dma_wait3A_534 : memref<16x128xi32, #tpu.memory_space<any>>)
    %dma_wait3A_539 = arith.constant 1 : i32
    %dma_wait3A_540 = arith.constant 1 : i32
    %dma_wait3A_541 = tpu.memref_slice %arg6[%dma_wait3A_540] : memref<2x!tpu.dma_semaphore, #tpu.memory_space<semaphore_mem>> -> memref<1x!tpu.dma_semaphore, #tpu.memory_space<semaphore_mem>>
    %dma_wait3A_542 = tpu.memref_squeeze %dma_wait3A_541 : memref<1x!tpu.dma_semaphore, #tpu.memory_space<semaphore_mem>> -> memref<!tpu.dma_semaphore, #tpu.memory_space<semaphore_mem>>
    %dma_wait3A_543 = arith.constant 0 : i32
    %dma_wait3A_544 = arith.constant 0 : i32
    %dma_wait3A_545 = tpu.memref_slice %arg2[%dma_wait3A_543, %dma_wait3A_544] : memref<128x128xi32, #tpu.memory_space<any>> -> memref<16x128xi32, #tpu.memory_space<any>>
    %dma_wait3A_546 = arith.constant 0 : i32
    %dma_wait3A_547 = arith.constant 0 : i32
    %dma_wait3A_548 = tpu.memref_slice %arg4[%dma_wait3A_539, %dma_wait3A_546, %dma_wait3A_547] : memref<2x16x128xi32, #tpu.memory_space<vmem>> -> memref<1x16x128xi32, #tpu.memory_space<vmem>>
    %dma_wait3A_549 = tpu.memref_squeeze %dma_wait3A_548 : memref<1x16x128xi32, #tpu.memory_space<vmem>> -> memref<16x128xi32, #tpu.memory_space<vmem>>
    tpu.wait_dma2 semaphore(%dma_wait3A_542 : memref<!tpu.dma_semaphore, #tpu.memory_space<semaphore_mem>>) src(%dma_wait3A_549 : memref<16x128xi32, #tpu.memory_space<vmem>>) dst(%dma_wait3A_545 : memref<16x128xi32, #tpu.memory_space<any>>)
    return
  }
}

</mosaic_0001>

<sc_bundles>
// kernel: kernel.4.cloned.1.call-start
scs
__scs_entry_jumppad:
0x0: {  	(pc) =	sbr.rel $0x88, $3  }
0x1: {  	(tag) =	ssettag $0x0;
	lr =	simm.s32 $0x1  }
0x2: {  	[smem:$0x3F9E] =	sst lr;
	_ =	strace $0xD0000000  }
0x3: {  	_ = 	snop  }
0x4: {  	_ = 	snop  }
0x5: {  	_ = 	snop  }
0x6: {  	_ = 	snop  }
0x7: {  	_ = 	snop  }
__scs_overlays_trampoline_lowered:
0x8: {  	[smem:$0x3FAD] =	sst s0  }
0x9: {  	[smem:$0x3FAE] =	sst s1  }
0xa: {  	[smem:$0x3FAF] =	sst s2  }
0xb: {  	[smem:$0x3FB0] =	sst s3  }
0xc: {  	[smem:$0x3FB1] =	sst s4  }
0xd: {  	[smem:$0x3FB2] =	sst s5  }
0xe: {  	[smem:$0x3FB3] =	sst s6  }
0xf: {  	[smem:$0x3FB4] =	sst s7  }
0x10: {  	[smem:$0x3FB5] =	sst s8  }
0x11: {  	[smem:$0x3FB6] =	sst s9;
	s0 =	simm.s32 @!p0 $0x0  }
0x12: {  	s1 =	sld [smem:$0x3F9C];
	s0 =	simm.s32 @p0 $0x1  }
0x13: {  	[smem:$0x3FB7] =	sst s0;
	s0 =	simm.s32 @!p1 $0x0  }
0x14: {  	s2 =	sld [smem:$0x3F9B];
	s0 =	simm.s32 @p1 $0x1  }
0x15: {  	[smem:$0x3FB8] =	sst s0;
	s0 =	simm.s32 @!p2 $0x0  }
0x16: {  	s3 =	sld [smem:$0x3FDB];
	s0 =	simm.s32 @p2 $0x1  }
0x17: {  	s4 =	simm.s32 $0x1BF5;
	[smem:$0x3FBA] =	sst s0  }
0x18: {  	s0 =	sld [smem:$0x3F9D];
	_ =	swait.ge [sflag:s4], $0x0  }
0x19: {  	s7 =	sld [smem:$0x3F9E]  }
0x1a: {  	s8 =	sadd.s32 $0xFFFFE003, lr  }
0x1b: {  	s9 =	sadd.s32 $0xFFFFFEF7, lr;
	s5 =	simm.s32 $0xFFFFFFFF;
	p2 =	slt.u32 s8, $0xFFFFF086  }
0x1c: {  	p1 =	slt.u32 s9, $0xF7A;
	s5 =	simm.s32 @!p2 $0x0  }
0x1d: {  	s5 =	simm.s32 @p1 $0x1;
	p0 =	seq.s32 s7, s2  }
0x1e: {  	s7 =	smul.u32 @!p0 $0xF7A, s2;
	p2 =	seq.s32 @!p0 s5, $0x0  }
0x1f: {  	s9 =	smul.u32 $0xF7A, s1;
	s8 =	simm.s32 @!p0 $0x1BF5;
	p2 =	por !p2, p0  }
0x20: {  	[sflag:s8] =	ssyncset.s32 @!p0 $0xFFFFF086;
	s6 =	sadd.s32 @!p0 s3, s7;
	s7 =	simm.s32 @!p0 $0x108  }
0x21: {  	s3 =	sadd.s32 s3, s9;
	s6 =	sadd.s32 @!p0 $0x88, s6;
	s7 =	simm.s32 @p2 $0x1082  }
0x22: {  	[simem:s7], [sflag:s8] =	dma.local @!p0 [hbm:s6], $0xF7A  }
0x23: {  	s9 =	sor.u32 $0xD0000000, s2;
	s6 =	simm.s32 $0x108;
	_ =	swait.ge @!p0 [sflag:s8], $0x0  }
0x24: {  	s3 =	sadd.s32 $0x88, s3;
	s6 =	simm.s32 @!p1 $0x1082;
	[sflag:s4] =	ssyncset.s32 $0xFFFFF086  }
0x25: {  	[simem:s6], [sflag:s4] =	dma.local [hbm:s3], $0xF7A  }
0x26: {  	[smem:$0x3F9E] =	sst s1;
	(tag) =	ssettag s2;
	_ =	strace s9  }
0x27: {  	s1 =	sld [smem:$0x3FAE]  }
0x28: {  	s2 =	sld [smem:$0x3FAF]  }
0x29: {  	s4 =	sld [smem:$0x3FB1]  }
0x2a: {  	p0 =	seq.s32 s5, $0x0;
	s5 =	sld [smem:$0x3FB2]  }
0x2b: {  	s6 =	sld [smem:$0x3FB3]  }
0x2c: {  	s7 =	sld [smem:$0x3FB4]  }
0x2d: {  	s3 =	simm.s32 $0x108;
	s8 =	sld [smem:$0x3FB5]  }
0x2e: {  	s3 =	simm.s32 @!p0 $0x1082;
	s9 =	sld [smem:$0x3FB6]  }
0x2f: {  	lr =	sadd.s32 s0, s3;
	s0 =	sld [smem:$0x3FAD]  }
0x30: {  	s3 =	sld [smem:$0x3FB0]  }
0x31: {  	[smem:$0x3FB9] =	sst s10  }
0x32: {  	s10 =	sld [smem:$0x3FB7];
	_ =	sdelay $0x3  }
0x33: {  	p0 =	seq.s32 s10, $0x1;
	s10 =	sld [smem:$0x3FB9];
	_ =	sdelay $0x3  }
0x34: {  	[smem:$0x3FB9] =	sst s10  }
0x35: {  	s10 =	sld [smem:$0x3FB8];
	_ =	sdelay $0x3  }
0x36: {  	p1 =	seq.s32 s10, $0x1;
	s10 =	sld [smem:$0x3FB9];
	_ =	sdelay $0x3  }
0x37: {  	[smem:$0x3FB9] =	sst s10  }
0x38: {  	s10 =	sld [smem:$0x3FBA]  }
0x39: {  	_ = 	snop;
	(pc) =	sbr.ind lr, $3  }
0x3a: {  	_ = 	snop  }
0x3b: {  	_ = 	snop  }
0x3c: {  	p2 =	seq.s32 s10, $0x1;
	s10 =	sld [smem:$0x3FB9]  }
0x3d: {  	_ =	shalt  }
0x3e: {  	_ =	shalt  }
0x3f: {  	_ =	shalt  }
0x40: {  	_ =	shalt  }
0x41: {  	_ =	shalt  }
0x42: {  	_ =	shalt  }
0x43: {  	_ =	shalt  }
0x44: {  	_ =	shalt  }
0x45: {  	_ =	shalt  }
0x46: {  	_ =	shalt  }
0x47: {  	_ =	shalt  }
0x48: {  	_ =	shalt  }
0x49: {  	_ =	shalt  }
0x4a: {  	_ =	shalt  }
0x4b: {  	_ =	shalt  }
0x4c: {  	_ =	shalt  }
0x4d: {  	_ =	shalt  }
0x4e: {  	_ =	shalt  }
0x4f: {  	_ =	shalt  }
0x50: {  	_ =	shalt  }
0x51: {  	_ =	shalt  }
0x52: {  	_ =	shalt  }
0x53: {  	_ =	shalt  }
0x54: {  	_ =	shalt  }
0x55: {  	_ =	shalt  }
0x56: {  	_ =	shalt  }
0x57: {  	_ =	shalt  }
0x58: {  	_ =	shalt  }
0x59: {  	_ =	shalt  }
0x5a: {  	_ =	shalt  }
0x5b: {  	_ =	shalt  }
0x5c: {  	_ =	shalt  }
0x5d: {  	_ =	shalt  }
0x5e: {  	_ =	shalt  }
0x5f: {  	_ =	shalt  }
0x60: {  	_ =	shalt  }
0x61: {  	_ =	shalt  }
0x62: {  	_ =	shalt  }
0x63: {  	_ =	shalt  }
0x64: {  	_ =	shalt  }
0x65: {  	_ =	shalt  }
0x66: {  	_ =	shalt  }
0x67: {  	_ =	shalt  }
0x68: {  	_ =	shalt  }
0x69: {  	_ =	shalt  }
0x6a: {  	_ =	shalt  }
0x6b: {  	_ =	shalt  }
0x6c: {  	_ =	shalt  }
0x6d: {  	_ =	shalt  }
0x6e: {  	_ =	shalt  }
0x6f: {  	_ =	shalt  }
0x70: {  	_ =	shalt  }
0x71: {  	_ =	shalt  }
0x72: {  	_ =	shalt  }
0x73: {  	_ =	shalt  }
0x74: {  	_ =	shalt  }
0x75: {  	_ =	shalt  }
0x76: {  	_ =	shalt  }
0x77: {  	_ =	shalt  }
0x78: {  	_ =	shalt  }
0x79: {  	_ =	shalt  }
0x7a: {  	_ =	shalt  }
0x7b: {  	_ =	shalt  }
0x7c: {  	_ =	shalt  }
0x7d: {  	_ =	shalt  }
0x7e: {  	_ =	shalt  }
0x7f: {  	_ =	shalt  }
0x80: {  	_ =	shalt  }
0x81: {  	_ =	shalt  }
0x82: {  	_ =	shalt  }
0x83: {  	_ =	shalt  }
0x84: {  	_ =	shalt  }
0x85: {  	_ =	shalt  }
0x86: {  	_ =	shalt  }
0x87: {  	_ =	shalt  }
.Lfunc_end0:
.L_simem_size_0:
called_computation_lowered:
.L_overlay_start_0:
0x88: {  	s2 =	sld [smem:$0x3FD9]  }
0x89: {  	s3 =	sld [smem:$0x3FFE];
	_ =	sdelay $0x1  }
0x8a: {  	s1 =	srdreg.scid  }
0x8b: {  	s0 =	sand.u32 $0x1, s1  }
0x8c: {  	s17 =	sshll.u32 s0, $0xA;
	s2 =	sadd.s32 s3, s2  }
0x8d: {  	s2 =	sadd.s32 s2, s17  }
0x8e: {  	[smem:$0x3FC5] =	sst s2  }
0x8f: {  	_ = 	snop  }
0x90: {  	s2 =	sld [smem:$0x3FC7]  }
0x91: {  	s18 =	sld [smem:$0x3FD0];
	(tm) =	ssettm $0x1  }
0x92: {  	s4 =	sld [smem:$0x3FFB];
	_ =	sdelay $0x3  }
0x93: {  	_ =	strace s4  }
0x94: {  	s4 =	sld [smem:$0x3FFC];
	_ =	sdelay $0x3  }
0x95: {  	_ =	strace s4  }
0x96: {  	s4 =	sld [smem:$0x3FFD];
	_ =	sdelay $0x3  }
0x97: {  	_ =	strace s4  }
0x98: {  	_ =	strace $0x8FFFFFFF  }
0x99: {  	s19 =	sld [smem:$0x3FDB];
	_ =	sdelay $0x1  }
0x9a: {  	s5 =	simm.s32 $_scs_section_size  }
0x9b: {  	s6 =	simm.s32 $_size__tile_overlayer_lowered;
	s7 =	simm.s32 $_tile_overlayer_lowered  }
0x9c: {  	s22 =	simm.s32 $0x1BFF;
	s21 =	sshll.u32 s7, $0x1;
	s4 =	sadd.s32 s5, s19  }
0x9d: {  	s8 =	simm.s32 $0x0;
	s20 =	sshll.u32 s6, $0x1;
	s6 =	sadd.s32 s21, s4  }
0x9e: {  	[timem:s8], [sflag:s22] =	dma.local [hbm:s6], s20  }
0x9f: {  	_ =	swait.ge [sflag:s22], s20  }
0xa0: {  	s5 =	ssub.s32 $0x0, s20;
	[sflag:s22] =	ssyncset.done $0x0  }
0xa1: {  	[sflag:s22] =	ssyncadd.s32 s5;
	_ =	sdelay $0x1  }
0xa2: {  	s23 =	simm.s32 $0x1B8B  }
0xa3: {  	_ =	swait.ge [sflag:s23], $0x1  }
0xa4: {  	[sflag:s23] =	ssyncset.done $0x0  }
0xa5: {  	s25 =	simm.s32 $0x1B8E;
	s24 =	sld [smem:$0x3FFE];
	[sflag:s23] =	ssyncadd.s32 $0xFFFFFFFF  }
0xa6: {  	s26 =	simm.s32 $execute0_lowered;
	[smem:$0x3FD2] =	sst s25  }
0xa7: {  	s6 =	sshll.u32 s26, $0x1;
	_ =	strace $0x80000046;
	[dreg:$0x1] =	wrdreg $0xFFFFFFFF  }
0xa8: {  	s28 =	simm.s32 $_size_execute0_lowered;
	s4 =	sadd.s32 s4, s6;
	[dreg:$0x0] =	wrdreg $0x0  }
0xa9: {  	s6 =	sshll.u32 s28, $0x1;
	[dreg:$0x2] =	wrdreg s4  }
0xaa: {  	[dreg:$0x3] =	wrdreg s6  }
0xab: {  	[dreg:$0x4] =	wrdreg $0xC0  }
0xac: {  	_ =	task [dreg:s8], $0x5FFFF  }
0xad: {  	[dreg:$0x1] =	wrdreg $0xFFFFFFFF  }
0xae: {  	[dreg:$0x0] =	wrdreg $0x60  }
0xaf: {  	[dreg:$0x2] =	wrdreg s24  }
0xb0: {  	[dreg:$0x3] =	wrdreg s2  }
0xb1: {  	[dreg:$0x4] =	wrdreg s18  }
0xb2: {  	[dreg:$0x5] =	wrdreg $0x9  }
0xb3: {  	_ =	task.clear_ibuf [dreg:s8], $0x6FFFF;
	_ =	strace $0x90000046  }
0xb4: {  	s29 =	simm.s32 $0x9;
	_ =	strace $0x80000048  }
0xb5: {  	_ =	swait.ge [sflag:s29], $0x1  }
0xb6: {  	[sflag:s29] =	ssyncadd.s32 $0xFFFFFFFF  }
0xb7: {  	_ =	strace $0x90000048  }
0xb8: {  	_ =	sfence  }
0xb9: {  	s30 =	sld [smem:$0x0];
	_ =	sdelay $0x2  }
0xba: {  	s31 =	sshll.u32 s1, $0xD;
	s1 =	sshrl.u32 s1, $0x2  }
0xbb: {  	s3 =	sand.u32 $0x4000, s31;
	s1 =	sadd.s32 s1, s30  }
0xbc: {  	s0 =	sor.u32 s3, s0;
	s1 =	sshll.u32 s1, $0x11  }
0xbd: {  	s0 =	sor.u32 s1, s0  }
0xbe: {  	s0 =	sadd.s32 $0x8F2B, s0  }
0xbf: {  	[sflag:s0] =	ssyncadd.remote.s32 $0x1  }
0xc0: {  	_ =	sfence.sel $0xFFFF  }
0xc1: {  	[dreg:$0x0] =	wrdreg $0xFFFFFFFF;
	(pc) =	sbr.abs _section_cstart, $3  }
0xc2: {  	[dreg:$0x1] =	wrdreg $0xFFFFFFFF  }
0xc3: {  	_ =	task.clear_ibuf [dreg:s8], $0x2FFFF;
	_ =	strace $0x9FFFFFFF  }
0xc4: {  	(tm) =	ssettm $0x7FFFFFFF  }
0xc5: {  	_ =	shalt  }
tec
execute0_lowered:
.L_overlay_start_1:
0x0: {  	(tag) =	ssettag $0x1  }
0x1: {  	s4 =	rddreg [dreg:$0x0]  }
0x2: {  	s2 =	rddreg [dreg:$0x1]  }
0x3: {  	s0 =	rddreg [dreg:$0x2];
	s3 =	simm.s32 $0x0  }
0x4: {  	s20 =	simm.s32 $0x880;
	[smem:$0x7FF] =	sst s3  }
0x5: {  	s21 =	simm.s32 $0x1080;
	_ =	strace $0x80000047;
	[dreg:$0x5] =	wrdreg s20  }
0x6: {  	s22 =	simm.s32 $0x1880;
	[dreg:$0x6] =	wrdreg s21  }
0x7: {  	s23 =	simm.s32 $0x2080;
	[dreg:$0x7] =	wrdreg s22  }
0x8: {  	s24 =	simm.s32 $0x2880;
	[dreg:$0x8] =	wrdreg s23  }
0x9: {  	s25 =	simm.s32 $0x3080;
	[dreg:$0x9] =	wrdreg s24  }
0xa: {  	s26 =	simm.s32 $0x3880;
	[dreg:$0xa] =	wrdreg s25  }
0xb: {  	s8 =	stileid.u32;
	s6 =	simm.s32 $0x4880;
	[dreg:$0xb] =	wrdreg s26  }
0xc: {  	s1 =	srdreg.scid;
	s7 =	simm.s32 $0x5080;
	[dreg:$0xd] =	wrdreg s6  }
0xd: {  	s9 =	simm.s32 $0x5880;
	s10 =	simm.s32 $0x6080;
	[dreg:$0xe] =	wrdreg s7  }
0xe: {  	s11 =	simm.s32 $0x6880;
	s12 =	simm.s32 $0x7080;
	[dreg:$0xf] =	wrdreg s9  }
0xf: {  	s13 =	simm.s32 $0x7880;
	s14 =	simm.s32 $0x8080;
	[dreg:$0x10] =	wrdreg s10  }
0x10: {  	s15 =	simm.s32 $0x8880;
	s16 =	simm.s32 $0x9080;
	[dreg:$0x11] =	wrdreg s11  }
0x11: {  	s18 =	simm.s32 $0x9880;
	s28 =	simm.s32 $0x17080;
	[dreg:$0x12] =	wrdreg s12  }
0x12: {  	s29 =	simm.s32 $0x17880;
	s30 =	simm.s32 $0x1;
	[dreg:$0x13] =	wrdreg s13  }
0x13: {  	s31 =	simm.s32 $0x0;
	s5 =	sshll.u32 s8, $0x7;
	[dreg:$0x14] =	wrdreg s14  }
0x14: {  	s1 =	sand.u32 $0x1, s1;
	s8 =	smul.u32 $0x18000, s8;
	[dreg:$0x15] =	wrdreg s15  }
0x15: {  	s4 =	sadd.s32 s5, s4;
	s19 =	sshll.u32 s1, $0x6;
	[dreg:$0x16] =	wrdreg s16  }
0x16: {  	s5 =	simm.s32 $0x4080;
	s17 =	ssub.s32 $0x2, s1;
	[dreg:$0x17] =	wrdreg s18  }
0x17: {  	s20 =	simm.s32 $0xA880;
	s7 =	simm.s32 $0xB080;
	s21 =	simm.s32 $0xB880  }
0x18: {  	s22 =	simm.s32 $0xC080;
	s23 =	simm.s32 $0xC880;
	s1 =	smul.u32 $0xC000, s1  }
0x19: {  	s24 =	simm.s32 $0xD080;
	s25 =	simm.s32 $0xD880;
	[dreg:$0xc] =	wrdreg s5  }
0x1a: {  	s26 =	simm.s32 $0xE080;
	s9 =	simm.s32 $0x80;
	[dreg:$0x19] =	wrdreg s20  }
0x1b: {  	s10 =	simm.s32 $0xE880;
	s11 =	simm.s32 $0xF080;
	[dreg:$0x1a] =	wrdreg s7  }
0x1c: {  	s12 =	simm.s32 $0xF880;
	s13 =	simm.s32 $0x10080;
	[dreg:$0x1b] =	wrdreg s21  }
0x1d: {  	s14 =	simm.s32 $0x10880;
	s15 =	simm.s32 $0x11080;
	[dreg:$0x1c] =	wrdreg s22  }
0x1e: {  	s16 =	simm.s32 $0x11880;
	s18 =	simm.s32 $0x12880;
	[dreg:$0x1d] =	wrdreg s23  }
0x1f: {  	s4 =	sadd.s32 s19, s4;
	s6 =	sshrl.u32 s17, $0x1;
	[dreg:$0x1e] =	wrdreg s24  }
0x20: {  	s19 =	simm.s32 $0xA080;
	s5 =	sadd.s32 $0x200, s2;
	[dreg:$0x1f] =	wrdreg s25  }
0x21: {  	s0 =	sadd.s32 s8, s0;
	s8 =	simm.s32 $0x2;
	[smem:$0x7FD] =	sst s26  }
0x22: {  	s20 =	simm.s32 $0x13880;
	s21 =	simm.s32 $0x14080;
	s22 =	simm.s32 $0x14880  }
0x23: {  	s23 =	simm.s32 $0x15080;
	s24 =	simm.s32 $0x15880;
	s25 =	simm.s32 $0x16080  }
0x24: {  	s26 =	simm.s32 $0x16880;
	s4 =	sadd.s32 $0x280400, s4;
	[dreg:$0x18] =	wrdreg s19  }
0x25: {  	v2 =	vlaneseq.u32;
	s6 =	ssub.s32 s17, s6;
	s0 =	sadd.s32 s1, s0;
	[dreg:$0x4] =	wrdreg s4  }
0x26: {  	vm0 =	vmmov $0xffff;
	v1 =	vshrl.u32 v2, $0x3;
	s17 =	simm.s32 $0x12080;
	s6 =	smax.u32 s6, $0x1;
	[smem:$0x7FC] =	sst s0  }
0x27: {  	v0 =	vand.u32 $0x7, v2;
	v2 =	vor.u32 $0x8, v2;
	v1 =	vmul.u32 $0x8, v1;
	s19 =	simm.s32 $0x13080;
	s4 =	sadd.s32 $0x100, s2;
	[smem:$0x7FB] =	sst s6  }
.LBB2_1:
0x28: {  	s7 =	sld [smem:$0x7FC];
	s1 =	simm.s32 $0x0  }
.LBB2_2:
0x29: {  	s6 =	rddreg [dreg:$0x4]  }
0x2a: {  	s6 =	sadd.s32 s1, s6  }
0x2b: {  	[tilespmem:s3], [sflag:$0x2] =	stream.linear.gather [hbm4b:s6+s3], $0x80, $0x38;
	[tilespmem:$0x18080] =	vst v63  }
0x2c: {  	_ =	swait.ge [sflag:s8], $0x80  }
0x2d: {  	[sflag:s8] =	ssyncset.done $0x0  }
0x2e: {  	[sflag:s8] =	ssyncadd.s32 $0xFFFFFF80  }
0x2f: {  	v3 =	vld [tilespmem:$0x0];
	_ =	sdelay $0x4  }
0x30: {  	v4 =	vshrl.u32 v3, $0x3  }
0x31: {  	v4 =	vmul.u32 $0x30, v4  }
0x32: {  	v3 =	vand.u32 $0x7, v3  }
0x33: {  	v3 =	vor.u32 v3, v4  }
0x34: {  	v4 =	vperm.xlane v3, v0;
	_ =	sdelay $0x1  }
0x35: {  	v4 =	vadd.s32 v1, v4;
	_ =	sdelay $0x3  }
0x36: {  	v3 =	vperm.xlane v3, v2  }
0x37: {  	[tilespmem:s9], [sflag:$0x1] =	stream.indirect_vreg.gather [hbm4b:s2+s3], $0x80, v4, vm0, $0xb8;
	[tilespmem:$0x18080] =	vst v63  }
0x38: {  	s6 =	rddreg [dreg:$0x5];
	v3 =	vadd.s32 v1, v3  }
0x39: {  	[tilespmem:s6], [sflag:$0x1] =	stream.indirect_vreg.gather [hbm4b:s4+s3], $0x80, v4, vm0, $0xb8;
	[tilespmem:$0x18080] =	vst v63  }
0x3a: {  	s0 =	rddreg [dreg:$0x6]  }
0x3b: {  	[tilespmem:s0], [sflag:$0x1] =	stream.indirect_vreg.gather [hbm4b:s5+s3], $0x80, v4, vm0, $0xb8;
	[tilespmem:$0x18080] =	vst v63  }
0x3c: {  	s6 =	rddreg [dreg:$0x7]  }
0x3d: {  	[tilespmem:s6], [sflag:$0x1] =	stream.indirect_vreg.gather [hbm4b:s2+s3], $0x80, v3, vm0, $0xb8;
	[tilespmem:$0x18080] =	vst v63  }
0x3e: {  	s0 =	rddreg [dreg:$0x8]  }
0x3f: {  	[tilespmem:s0], [sflag:$0x1] =	stream.indirect_vreg.gather [hbm4b:s4+s3], $0x80, v3, vm0, $0xb8;
	[tilespmem:$0x18080] =	vst v63  }
0x40: {  	s6 =	rddreg [dreg:$0x9]  }
0x41: {  	[tilespmem:s6], [sflag:$0x1] =	stream.indirect_vreg.gather [hbm4b:s5+s3], $0x80, v3, vm0, $0xb8;
	[tilespmem:$0x18080] =	vst v63  }
0x42: {  	v3 =	vld [tilespmem:$0x10];
	_ =	sdelay $0x4  }
0x43: {  	v57 =	vshrl.u32 v3, $0x3  }
0x44: {  	v4 =	vmul.u32 $0x30, v57  }
0x45: {  	v3 =	vand.u32 $0x7, v3  }
0x46: {  	v3 =	vor.u32 v3, v4  }
0x47: {  	v4 =	vperm.xlane v3, v0;
	_ =	sdelay $0x1  }
0x48: {  	v4 =	vadd.s32 v1, v4;
	_ =	sdelay $0x3  }
0x49: {  	s0 =	rddreg [dreg:$0xa];
	v3 =	vperm.xlane v3, v2  }
0x4a: {  	[tilespmem:s0], [sflag:$0x1] =	stream.indirect_vreg.gather [hbm4b:s2+s3], $0x80, v4, vm0, $0xb8;
	[tilespmem:$0x18080] =	vst v63  }
0x4b: {  	s6 =	rddreg [dreg:$0xb];
	v3 =	vadd.s32 v1, v3  }
0x4c: {  	[tilespmem:s6], [sflag:$0x1] =	stream.indirect_vreg.gather [hbm4b:s4+s3], $0x80, v4, vm0, $0xb8;
	[tilespmem:$0x18080] =	vst v63  }
0x4d: {  	s0 =	rddreg [dreg:$0xc]  }
0x4e: {  	[tilespmem:s0], [sflag:$0x1] =	stream.indirect_vreg.gather [hbm4b:s5+s3], $0x80, v4, vm0, $0xb8;
	[tilespmem:$0x18080] =	vst v63  }
0x4f: {  	s6 =	rddreg [dreg:$0xd]  }
0x50: {  	[tilespmem:s6], [sflag:$0x1] =	stream.indirect_vreg.gather [hbm4b:s2+s3], $0x80, v3, vm0, $0xb8;
	[tilespmem:$0x18080] =	vst v63  }
0x51: {  	s0 =	rddreg [dreg:$0xe]  }
0x52: {  	[tilespmem:s0], [sflag:$0x1] =	stream.indirect_vreg.gather [hbm4b:s4+s3], $0x80, v3, vm0, $0xb8;
	[tilespmem:$0x18080] =	vst v63  }
0x53: {  	s6 =	rddreg [dreg:$0xf]  }
0x54: {  	[tilespmem:s6], [sflag:$0x1] =	stream.indirect_vreg.gather [hbm4b:s5+s3], $0x80, v3, vm0, $0xb8;
	[tilespmem:$0x18080] =	vst v63  }
0x55: {  	v3 =	vld [tilespmem:$0x20];
	_ =	sdelay $0x4  }
0x56: {  	v58 =	vshrl.u32 v3, $0x3  }
0x57: {  	v4 =	vmul.u32 $0x30, v58  }
0x58: {  	v3 =	vand.u32 $0x7, v3  }
0x59: {  	v3 =	vor.u32 v3, v4  }
0x5a: {  	v4 =	vperm.xlane v3, v0;
	_ =	sdelay $0x1  }
0x5b: {  	v4 =	vadd.s32 v1, v4;
	_ =	sdelay $0x3  }
0x5c: {  	s0 =	rddreg [dreg:$0x10];
	v3 =	vperm.xlane v3, v2  }
0x5d: {  	[tilespmem:s0], [sflag:$0x1] =	stream.indirect_vreg.gather [hbm4b:s2+s3], $0x80, v4, vm0, $0xb8;
	[tilespmem:$0x18080] =	vst v63  }
0x5e: {  	s6 =	rddreg [dreg:$0x11];
	v3 =	vadd.s32 v1, v3  }
0x5f: {  	[tilespmem:s6], [sflag:$0x1] =	stream.indirect_vreg.gather [hbm4b:s4+s3], $0x80, v4, vm0, $0xb8;
	[tilespmem:$0x18080] =	vst v63  }
0x60: {  	s0 =	rddreg [dreg:$0x12]  }
0x61: {  	[tilespmem:s0], [sflag:$0x1] =	stream.indirect_vreg.gather [hbm4b:s5+s3], $0x80, v4, vm0, $0xb8;
	[tilespmem:$0x18080] =	vst v63  }
0x62: {  	s6 =	rddreg [dreg:$0x13]  }
0x63: {  	[tilespmem:s6], [sflag:$0x1] =	stream.indirect_vreg.gather [hbm4b:s2+s3], $0x80, v3, vm0, $0xb8;
	[tilespmem:$0x18080] =	vst v63  }
0x64: {  	s0 =	rddreg [dreg:$0x14]  }
0x65: {  	[tilespmem:s0], [sflag:$0x1] =	stream.indirect_vreg.gather [hbm4b:s4+s3], $0x80, v3, vm0, $0xb8;
	[tilespmem:$0x18080] =	vst v63  }
0x66: {  	s6 =	rddreg [dreg:$0x15]  }
0x67: {  	[tilespmem:s6], [sflag:$0x1] =	stream.indirect_vreg.gather [hbm4b:s5+s3], $0x80, v3, vm0, $0xb8;
	[tilespmem:$0x18080] =	vst v63  }
0x68: {  	v3 =	vld [tilespmem:$0x30];
	_ =	sdelay $0x4  }
0x69: {  	v59 =	vshrl.u32 v3, $0x3  }
0x6a: {  	v4 =	vmul.u32 $0x30, v59  }
0x6b: {  	v3 =	vand.u32 $0x7, v3  }
0x6c: {  	v3 =	vor.u32 v3, v4  }
0x6d: {  	v4 =	vperm.xlane v3, v0;
	_ =	sdelay $0x1  }
0x6e: {  	v4 =	vadd.s32 v1, v4;
	_ =	sdelay $0x3  }
0x6f: {  	s0 =	rddreg [dreg:$0x16];
	v3 =	vperm.xlane v3, v2  }
0x70: {  	[tilespmem:s0], [sflag:$0x1] =	stream.indirect_vreg.gather [hbm4b:s2+s3], $0x80, v4, vm0, $0xb8;
	[tilespmem:$0x18080] =	vst v63  }
0x71: {  	s6 =	rddreg [dreg:$0x17];
	v3 =	vadd.s32 v1, v3  }
0x72: {  	[tilespmem:s6], [sflag:$0x1] =	stream.indirect_vreg.gather [hbm4b:s4+s3], $0x80, v4, vm0, $0xb8;
	[tilespmem:$0x18080] =	vst v63  }
0x73: {  	s0 =	rddreg [dreg:$0x18]  }
0x74: {  	[tilespmem:s0], [sflag:$0x1] =	stream.indirect_vreg.gather [hbm4b:s5+s3], $0x80, v4, vm0, $0xb8;
	[tilespmem:$0x18080] =	vst v63  }
0x75: {  	s6 =	rddreg [dreg:$0x19]  }
0x76: {  	[tilespmem:s6], [sflag:$0x1] =	stream.indirect_vreg.gather [hbm4b:s2+s3], $0x80, v3, vm0, $0xb8;
	[tilespmem:$0x18080] =	vst v63  }
0x77: {  	s0 =	rddreg [dreg:$0x1a]  }
0x78: {  	[tilespmem:s0], [sflag:$0x1] =	stream.indirect_vreg.gather [hbm4b:s4+s3], $0x80, v3, vm0, $0xb8;
	[tilespmem:$0x18080] =	vst v63  }
0x79: {  	s6 =	rddreg [dreg:$0x1b]  }
0x7a: {  	[tilespmem:s6], [sflag:$0x1] =	stream.indirect_vreg.gather [hbm4b:s5+s3], $0x80, v3, vm0, $0xb8;
	[tilespmem:$0x18080] =	vst v63  }
0x7b: {  	v3 =	vld [tilespmem:$0x40];
	_ =	sdelay $0x4  }
0x7c: {  	v60 =	vshrl.u32 v3, $0x3  }
0x7d: {  	v4 =	vmul.u32 $0x30, v60  }
0x7e: {  	v3 =	vand.u32 $0x7, v3  }
0x7f: {  	v3 =	vor.u32 v3, v4  }
0x80: {  	v4 =	vperm.xlane v3, v0;
	_ =	sdelay $0x1  }
0x81: {  	v4 =	vadd.s32 v1, v4;
	_ =	sdelay $0x2  }
0x82: {  	s0 =	rddreg [dreg:$0x1c]  }
0x83: {  	s6 =	rddreg [dreg:$0x1d];
	v3 =	vperm.xlane v3, v2  }
0x84: {  	[tilespmem:s0], [sflag:$0x1] =	stream.indirect_vreg.gather [hbm4b:s2+s3], $0x80, v4, vm0, $0xb8;
	[tilespmem:$0x18080] =	vst v63  }
0x85: {  	v3 =	vadd.s32 v1, v3;
	s0 =	rddreg [dreg:$0x1e]  }
0x86: {  	[tilespmem:s6], [sflag:$0x1] =	stream.indirect_vreg.gather [hbm4b:s4+s3], $0x80, v4, vm0, $0xb8;
	[tilespmem:$0x18080] =	vst v63  }
0x87: {  	s6 =	rddreg [dreg:$0x1f]  }
0x88: {  	[tilespmem:s0], [sflag:$0x1] =	stream.indirect_vreg.gather [hbm4b:s5+s3], $0x80, v4, vm0, $0xb8;
	[tilespmem:$0x18080] =	vst v63  }
0x89: {  	s0 =	sld [smem:$0x7FD]  }
0x8a: {  	[tilespmem:s6], [sflag:$0x1] =	stream.indirect_vreg.gather [hbm4b:s2+s3], $0x80, v3, vm0, $0xb8;
	[tilespmem:$0x18080] =	vst v63  }
0x8b: {  	_ = 	snop  }
0x8c: {  	[tilespmem:s0], [sflag:$0x1] =	stream.indirect_vreg.gather [hbm4b:s4+s3], $0x80, v3, vm0, $0xb8;
	[tilespmem:$0x18080] =	vst v63  }
0x8d: {  	_ = 	snop  }
0x8e: {  	[tilespmem:s10], [sflag:$0x1] =	stream.indirect_vreg.gather [hbm4b:s5+s3], $0x80, v3, vm0, $0xb8;
	[tilespmem:$0x18080] =	vst v63  }
0x8f: {  	v3 =	vld [tilespmem:$0x50];
	_ =	sdelay $0x4  }
0x90: {  	v61 =	vshrl.u32 v3, $0x3  }
0x91: {  	v4 =	vmul.u32 $0x30, v61  }
0x92: {  	v3 =	vand.u32 $0x7, v3  }
0x93: {  	v3 =	vor.u32 v3, v4  }
0x94: {  	v4 =	vperm.xlane v3, v0;
	_ =	sdelay $0x1  }
0x95: {  	v4 =	vadd.s32 v1, v4;
	_ =	sdelay $0x3  }
0x96: {  	v3 =	vperm.xlane v3, v2  }
0x97: {  	[tilespmem:s11], [sflag:$0x1] =	stream.indirect_vreg.gather [hbm4b:s2+s3], $0x80, v4, vm0, $0xb8;
	[tilespmem:$0x18080] =	vst v63  }
0x98: {  	v3 =	vadd.s32 v1, v3  }
0x99: {  	[tilespmem:s12], [sflag:$0x1] =	stream.indirect_vreg.gather [hbm4b:s4+s3], $0x80, v4, vm0, $0xb8;
	[tilespmem:$0x18080] =	vst v63  }
0x9a: {  	_ = 	snop  }
0x9b: {  	[tilespmem:s13], [sflag:$0x1] =	stream.indirect_vreg.gather [hbm4b:s5+s3], $0x80, v4, vm0, $0xb8;
	[tilespmem:$0x18080] =	vst v63  }
0x9c: {  	_ = 	snop  }
0x9d: {  	[tilespmem:s14], [sflag:$0x1] =	stream.indirect_vreg.gather [hbm4b:s2+s3], $0x80, v3, vm0, $0xb8;
	[tilespmem:$0x18080] =	vst v63  }
0x9e: {  	_ = 	snop  }
0x9f: {  	[tilespmem:s15], [sflag:$0x1] =	stream.indirect_vreg.gather [hbm4b:s4+s3], $0x80, v3, vm0, $0xb8;
	[tilespmem:$0x18080] =	vst v63  }
0xa0: {  	_ = 	snop  }
0xa1: {  	[tilespmem:s16], [sflag:$0x1] =	stream.indirect_vreg.gather [hbm4b:s5+s3], $0x80, v3, vm0, $0xb8;
	[tilespmem:$0x18080] =	vst v63  }
0xa2: {  	v3 =	vld [tilespmem:$0x60];
	_ =	sdelay $0x4  }
0xa3: {  	v62 =	vshrl.u32 v3, $0x3  }
0xa4: {  	v4 =	vmul.u32 $0x30, v62  }
0xa5: {  	v3 =	vand.u32 $0x7, v3  }
0xa6: {  	v3 =	vor.u32 v3, v4  }
0xa7: {  	v4 =	vperm.xlane v3, v0;
	_ =	sdelay $0x1  }
0xa8: {  	v4 =	vadd.s32 v1, v4;
	_ =	sdelay $0x3  }
0xa9: {  	v3 =	vperm.xlane v3, v2  }
0xaa: {  	[tilespmem:s17], [sflag:$0x1] =	stream.indirect_vreg.gather [hbm4b:s2+s3], $0x80, v4, vm0, $0xb8;
	[tilespmem:$0x18080] =	vst v63  }
0xab: {  	v3 =	vadd.s32 v1, v3  }
0xac: {  	[tilespmem:s18], [sflag:$0x1] =	stream.indirect_vreg.gather [hbm4b:s4+s3], $0x80, v4, vm0, $0xb8;
	[tilespmem:$0x18080] =	vst v63  }
0xad: {  	_ = 	snop  }
0xae: {  	[tilespmem:s19], [sflag:$0x1] =	stream.indirect_vreg.gather [hbm4b:s5+s3], $0x80, v4, vm0, $0xb8;
	[tilespmem:$0x18080] =	vst v63  }
0xaf: {  	_ = 	snop  }
0xb0: {  	[tilespmem:s20], [sflag:$0x1] =	stream.indirect_vreg.gather [hbm4b:s2+s3], $0x80, v3, vm0, $0xb8;
	[tilespmem:$0x18080] =	vst v63  }
0xb1: {  	_ = 	snop  }
0xb2: {  	[tilespmem:s21], [sflag:$0x1] =	stream.indirect_vreg.gather [hbm4b:s4+s3], $0x80, v3, vm0, $0xb8;
	[tilespmem:$0x18080] =	vst v63  }
0xb3: {  	_ = 	snop  }
0xb4: {  	[tilespmem:s22], [sflag:$0x1] =	stream.indirect_vreg.gather [hbm4b:s5+s3], $0x80, v3, vm0, $0xb8;
	[tilespmem:$0x18080] =	vst v63  }
0xb5: {  	v3 =	vld [tilespmem:$0x70];
	_ =	sdelay $0x4  }
0xb6: {  	v63 =	vshrl.u32 v3, $0x3  }
0xb7: {  	v4 =	vmul.u32 $0x30, v63  }
0xb8: {  	v3 =	vand.u32 $0x7, v3  }
0xb9: {  	v3 =	vor.u32 v3, v4  }
0xba: {  	v4 =	vperm.xlane v3, v0;
	_ =	sdelay $0x1  }
0xbb: {  	v4 =	vadd.s32 v1, v4;
	_ =	sdelay $0x3  }
0xbc: {  	v3 =	vperm.xlane v3, v2  }
0xbd: {  	[tilespmem:s23], [sflag:$0x1] =	stream.indirect_vreg.gather [hbm4b:s2+s3], $0x80, v4, vm0, $0xb8;
	[tilespmem:$0x18080] =	vst v63  }
0xbe: {  	v3 =	vadd.s32 v1, v3  }
0xbf: {  	[tilespmem:s24], [sflag:$0x1] =	stream.indirect_vreg.gather [hbm4b:s4+s3], $0x80, v4, vm0, $0xb8;
	[tilespmem:$0x18080] =	vst v63  }
0xc0: {  	_ = 	snop  }
0xc1: {  	[tilespmem:s25], [sflag:$0x1] =	stream.indirect_vreg.gather [hbm4b:s5+s3], $0x80, v4, vm0, $0xb8;
	[tilespmem:$0x18080] =	vst v63  }
0xc2: {  	_ = 	snop  }
0xc3: {  	[tilespmem:s26], [sflag:$0x1] =	stream.indirect_vreg.gather [hbm4b:s2+s3], $0x80, v3, vm0, $0xb8;
	[tilespmem:$0x18080] =	vst v63  }
0xc4: {  	_ = 	snop  }
0xc5: {  	[tilespmem:s28], [sflag:$0x1] =	stream.indirect_vreg.gather [hbm4b:s4+s3], $0x80, v3, vm0, $0xb8;
	[tilespmem:$0x18080] =	vst v63  }
0xc6: {  	_ = 	snop  }
0xc7: {  	[tilespmem:s29], [sflag:$0x1] =	stream.indirect_vreg.gather [hbm4b:s5+s3], $0x80, v3, vm0, $0xb8;
	[tilespmem:$0x18080] =	vst v63  }
0xc8: {  	_ =	swait.ge [sflag:s30], $0x18000  }
0xc9: {  	p0 =	sne.s32 s1, $0x30;
	[sflag:s30] =	ssyncset.done $0x0  }
.Ltmp0:
0xca: {  	[sflag:s30] =	ssyncadd.s32 $0xFFFE8000;
	(pc) =	sbr.rel @p0 .LBB2_2-.Ltmp0, $4  }
0xcb: {  	[hbm4b:s7+s3] =	stream.linear.scatter [tilespmem:s9], [sflag:$0x2], $0x18000, $0x38;
	[tilespmem:$0x18080] =	vst v63  }
0xcc: {  	_ =	swait.ge [sflag:s8], $0x18000  }
0xcd: {  	[sflag:s8] =	ssyncset.done $0x0  }
0xce: {  	s1 =	sadd.s32 $0x10, s1;
	s7 =	sadd.s32 $0x3000, s7;
	[sflag:s8] =	ssyncadd.s32 $0xFFFE8000  }
0xcf: {  	s0 =	sld [smem:$0x7FB];
	_ =	sdelay $0x1  }
0xd0: {  	s31 =	sadd.s32 $0x1, s31  }
0xd1: {  	p0 =	sne.s32 s31, s0  }
.Ltmp1:
0xd2: {  	_ = 	snop;
	(pc) =	sbr.rel @p0 .LBB2_1-.Ltmp1, $1  }
0xd3: {  	_ =	sdelay $0x3  }
0xd4: {  	_ =	sfence.sel $0x180000  }
0xd5: {  	[bflag:$0x0] =	sbarrier.arrive $0xFFFF  }
0xd6: {  	_ =	strace $0x90000047  }
0xd7: {  	s0 =	stileid.u32;
	[bflag:$0x2] =	sbarrier.arrive $0xFFFF  }
0xd8: {  	p0 =	sne.s32 s0, $0x0;
	s0 =	rddreg [dreg:$0x3]  }
0xd9: {  	s0 =	sadd.s32 @!p0 $0x100000, s0  }
0xda: {  	[sflag:s0] =	ssyncadd.tile.s32 @!p0 $0x1;
	_ =	shalt  }
.Lfunc_end2:
_tile_overlayer_lowered:
.L_overlay_start_2:
0xdb: {  	(tag) =	ssettag $0x2  }
0xdc: {  	s0 =	rddreg [dreg:$0x0];
	s2 =	stileid.u32  }
0xdd: {  	s1 =	rddreg [dreg:$0x1];
	p0 =	sne.s32 s2, $0x0  }
0xde: {  	s3 =	rddreg [dreg:$0x2];
	[bflag:$0x3] =	sbarrier.arrive $0xFFFF;
	s2 =	simm.s32 @!p0 $0x1C02  }
0xdf: {  	[timem:s3], [sflag:s2] =	dma.local @!p0 [hbm:s0], s1  }
0xe0: {  	s0 =	simm.s32 @!p0 $0x2  }
0xe1: {  	_ =	swait.ge @!p0 [sflag:s0], s1  }
0xe2: {  	s1 =	ssub.s32 @!p0 $0x0, s1;
	[sflag:s0] =	ssyncset.done @!p0 $0x0  }
0xe3: {  	[sflag:s0] =	ssyncadd.s32 @!p0 s1  }
0xe4: {  	[bflag:$0x3] =	sbarrier.arrive $0xFFFF  }
0xe5: {  	_ =	shalt  }

</sc_bundles>
